<compile_context>
chip_gen: v7x
topology: tpu7x:2x2x1
jax: 0.10.2.dev20260603
libtpu: 0.0.44.dev20260713+nightly
codegen_flags: <defaults>
</compile_context>

<pallas_src>
import functools

import jax
import jax.numpy as jnp
from jax import lax
from jax.experimental import pallas as pl
from jax.experimental.pallas import tpu as pltpu
from jax.experimental.pallas import tpu_sc as plsc

_N = 10000
_NPAD = 10240
_E = 320000
_R = 256
_NT = _NPAD // _R
_K = 128
_NSUB = 16
_NCORE = 2
_H = 256


_NCHT = _E // _K


def _seg_sum_body(dh, xsplit, combo, zeros, out, ebuf, rows, acc, gsem):
    cax = lax.axis_index("c")
    s = lax.axis_index("s")
    rps = _NPAD // _NSUB
    pltpu.sync_copy(zeros, acc.at[pl.ds(s * rps, rps)])
    plsc.subcore_barrier()
    cbase = cax * (2 * _NCHT)
    base_n = _NCHT // _NSUB
    rem = _NCHT - base_n * _NSUB
    nch = base_n + jnp.where(s < rem, 1, 0)

    def body(t, carry):
        ci = s + t * _NSUB
        pltpu.sync_copy(combo.at[pl.ds(cbase + ci * 2, 2)], ebuf)
        pltpu.async_copy(xsplit.at[ebuf.at[0]], rows, gsem).wait()
        pltpu.sync_copy(rows, acc.at[ebuf.at[1]], add=True)
        return carry

    lax.fori_loop(0, nch, body, 0)
    plsc.subcore_barrier()
    pltpu.sync_copy(acc.at[pl.ds(s * rps, rps)],
                    out.at[pl.ds(cax * _NPAD + s * rps, rps)])


def _seg_sum(xsplit, combo, dh):
    zeros = jnp.zeros((_NPAD // _NSUB, dh), jnp.float32)
    mesh = plsc.VectorSubcoreMesh(core_axis_name="c", subcore_axis_name="s",
                                  num_cores=_NCORE, num_subcores=_NSUB)
    f = pl.kernel(
        functools.partial(_seg_sum_body, dh),
        out_type=jax.ShapeDtypeStruct((_NCORE * _NPAD, dh), jnp.float32),
        mesh=mesh,
        scratch_types=[
            pltpu.VMEM((2, _K), jnp.int32),
            pltpu.VMEM((_K, dh), jnp.float32),
            pltpu.VMEM_SHARED((_NPAD, dh), jnp.float32),
            pltpu.SemaphoreType.DMA,
        ],
    )
    return f(xsplit, combo, zeros)


def _bn_lrelu_split(z, g, bb, m, v, o_ref):
    scale = g * lax.rsqrt(v + 1e-5)
    z = (z - m) * scale + bb
    z = jnp.where(z >= 0, z, 0.01 * z)
    o_ref[0] = z[:, :128]
    o_ref[1] = z[:, 128:]


def _l1_body(x_ref, alo_ref, ahi_ref, ws_ref, wn_ref, b_ref, g_ref, bb_ref,
             m_ref, v_ref, o_ref):
    x = x_ref[...]
    a = jnp.concatenate([alo_ref[:, :64], ahi_ref[:, :64]], axis=1)
    deg = alo_ref[:, 64:65]
    hn = a * (1.0 / jnp.maximum(deg, 1.0))
    z = (jnp.dot(x, ws_ref[...], preferred_element_type=jnp.float32)
         + jnp.dot(hn, wn_ref[...], preferred_element_type=jnp.float32)
         + b_ref[...])
    _bn_lrelu_split(z, g_ref[...], bb_ref[...], m_ref[...], v_ref[...], o_ref)


def _l23_body(xlo_ref, xhi_ref, alo_ref, ahi_ref, d_ref, ws_ref, wn_ref,
              b_ref, g_ref, bb_ref, m_ref, v_ref, o_ref):
    x = jnp.concatenate([xlo_ref[...], xhi_ref[...]], axis=1)
    a = jnp.concatenate([alo_ref[...], ahi_ref[...]], axis=1)
    deg = d_ref[:, 64:65]
    hn = a * (1.0 / jnp.maximum(deg, 1.0))
    z = (jnp.dot(x, ws_ref[...], preferred_element_type=jnp.float32)
         + jnp.dot(hn, wn_ref[...], preferred_element_type=jnp.float32)
         + b_ref[...])
    _bn_lrelu_split(z, g_ref[...], bb_ref[...], m_ref[...], v_ref[...], o_ref)


def _full(shape):
    return pl.BlockSpec(shape, lambda i: (0,) * len(shape))


def _layer1(h_pad, agg1, Ws, Wn, b, g, bb, m, v):
    return pl.pallas_call(
        _l1_body,
        grid=(_NT,),
        in_specs=[
            pl.BlockSpec((_R, 128), lambda i: (i, 0)),
            pl.BlockSpec((_R, 128), lambda i: (i, 0)),
            pl.BlockSpec((_R, 128), lambda i: (_NT + i, 0)),
            _full((128, _H)), _full((128, _H)),
            _full((1, _H)), _full((1, _H)), _full((1, _H)),
            _full((1, _H)), _full((1, _H)),
        ],
        out_specs=pl.BlockSpec((2, _R, 128), lambda i: (0, i, 0)),
        out_shape=jax.ShapeDtypeStruct((2, _NPAD, 128), jnp.float32),
    )(h_pad, agg1, agg1, Ws, Wn, b, g, bb, m, v)


def _layer23(xsplit, agg, agg1, Ws, Wn, b, g, bb, m, v):
    return pl.pallas_call(
        _l23_body,
        grid=(_NT,),
        in_specs=[
            pl.BlockSpec((_R, 128), lambda i: (i, 0)),
            pl.BlockSpec((_R, 128), lambda i: (_NT + i, 0)),
            pl.BlockSpec((_R, 128), lambda i: (i, 0)),
            pl.BlockSpec((_R, 128), lambda i: (_NT + i, 0)),
            pl.BlockSpec((_R, 128), lambda i: (i, 0)),
            _full((_H, _H)), _full((_H, _H)),
            _full((1, _H)), _full((1, _H)), _full((1, _H)),
            _full((1, _H)), _full((1, _H)),
        ],
        out_specs=pl.BlockSpec((2, _R, 128), lambda i: (0, i, 0)),
        out_shape=jax.ShapeDtypeStruct((2, _NPAD, 128), jnp.float32),
    )(xsplit, xsplit, agg, agg, agg1, Ws, Wn, b, g, bb, m, v)


def _final_body(xlo_ref, xhi_ref, f1w_ref, f1b_ref, f2w_ref, f2b_ref,
                f3w_ref, f3b_ref, o_ref, acc_ref):
    i = pl.program_id(0)
    xt = jnp.concatenate([xlo_ref[...], xhi_ref[...]], axis=1)
    row = i * _R + lax.broadcasted_iota(jnp.int32, (_R, 1), 0)
    xt = jnp.where(row < _N, xt, 0.0)

    @pl.when(i == 0)
    def _():
        acc_ref[...] = jnp.zeros_like(acc_ref)

    acc_ref[...] += jnp.sum(xt, axis=0, keepdims=True)

    @pl.when(i == _NT - 1)
    def _():
        hg = acc_ref[...] * (1.0 / _N)
        y = hg @ f1w_ref[...] + f1b_ref[...]
        y = jnp.where(y >= 0, y, 0.01 * y)
        y = y @ f2w_ref[...] + f2b_ref[...]
        y = jnp.where(y >= 0, y, 0.01 * y)
        o_ref[...] = y @ f3w_ref[...] + f3b_ref[...]


def _final(xsplit, f1w, f1b, f2w, f2b, f3w, f3b):
    return pl.pallas_call(
        _final_body,
        grid=(_NT,),
        in_specs=[
            pl.BlockSpec((_R, 128), lambda i: (i, 0)),
            pl.BlockSpec((_R, 128), lambda i: (_NT + i, 0)),
            _full((_H, _H)), _full((1, _H)),
            _full((_H, 1024)), _full((1, 1024)),
            _full((1024, 128)), _full((1, 128)),
        ],
        out_specs=pl.BlockSpec((1, 128), lambda i: (0, 0)),
        out_shape=jax.ShapeDtypeStruct((1, 128), jnp.float32),
        scratch_shapes=[pltpu.VMEM((1, _H), jnp.float32)],
    )(xsplit, xsplit, f1w, f1b, f2w, f2b, f3w, f3b)


def kernel(h, edge_index, Ws1, Wn1, b1, Ws2, Wn2, b2, Ws3, Wn3, b3,
           bn1g, bn1b, bn1m, bn1v, bn2g, bn2b, bn2m, bn2v, bn3g, bn3b,
           bn3m, bn3v, fc1W, fc1b, fc2W, fc2b, fc3W, fc3b):
    f32 = jnp.float32
    srcm = edge_index[0].reshape(_NCHT, 1, _K)
    dstm = edge_index[1].reshape(_NCHT, 1, _K)
    combo = jnp.concatenate(
        [jnp.concatenate([srcm + c * _NPAD, dstm], axis=1) for c in (0, 1)],
        axis=0).reshape(2 * _NCHT * 2, _K)

    h_pad = jnp.zeros((_NPAD, 128), f32).at[:_N].set(h)
    onescol = jnp.ones((_NPAD, 1), f32)
    zpad = jnp.zeros((_NPAD, 63), f32)
    zpad2 = jnp.zeros((_NPAD, 64), f32)
    hsplit = jnp.concatenate([
        jnp.concatenate([h_pad[:, :64], onescol, zpad], axis=1),
        jnp.concatenate([h_pad[:, 64:], zpad2], axis=1)], axis=0)

    r1 = lambda a: a.reshape(1, -1)

    agg1 = _seg_sum(hsplit, combo, 128)
    x1 = _layer1(h_pad, agg1, Ws1, Wn1, r1(b1), r1(bn1g), r1(bn1b),
                 r1(bn1m), r1(bn1v)).reshape(_NCORE * _NPAD, 128)
    agg2 = _seg_sum(x1, combo, 128)
    x2 = _layer23(x1, agg2, agg1, Ws2, Wn2, r1(b2), r1(bn2g), r1(bn2b),
                  r1(bn2m), r1(bn2v)).reshape(_NCORE * _NPAD, 128)
    agg3 = _seg_sum(x2, combo, 128)
    x3 = _layer23(x2, agg3, agg1, Ws3, Wn3, r1(b3), r1(bn3g), r1(bn3b),
                  r1(bn3m), r1(bn3v)).reshape(_NCORE * _NPAD, 128)

    f3Wp = jnp.zeros((1024, 128), f32).at[:, :18].set(fc3W)
    f3bp = jnp.zeros((1, 128), f32).at[:, :18].set(r1(fc3b))
    y = _final(x3, fc1W, r1(fc1b), fc2W, r1(fc2b), f3Wp, f3bp)
    return y[:, :18]

# --- scband reference (transcript-rebuilt; emitter-appended) ---
"""Pipeline reference for scband-gcnclassifier-25907242730199 (READ-ONLY COPY).

The authoritative reference and input builder live on the scoring server;
editing this copy changes nothing except your own understanding.
"""

import jax, jax.numpy as jnp
import numpy as np

N = 10000
E = 320000
IN = 128
H = 256
NC = 18

def _w(k, shape):
    return jax.random.normal(k, shape, dtype=jnp.float32) * 0.05

def setup_inputs(seed: int = 0):
    key = jax.random.key(seed)
    ks = jax.random.split(key, 16)
    d = {}
    d["h"] = jax.random.normal(ks[0], (N, IN), dtype=jnp.float32)
    d["edge_index"] = jax.random.randint(ks[1], (2, E), 0, N, dtype=jnp.int32)
    d["Ws1"] = _w(ks[2], (IN, H)); d["Wn1"] = _w(ks[3], (IN, H)); d["b1"] = jnp.zeros((H,), jnp.float32)
    d["Ws2"] = _w(ks[4], (H, H)); d["Wn2"] = _w(ks[5], (H, H)); d["b2"] = jnp.zeros((H,), jnp.float32)
    d["Ws3"] = _w(ks[6], (H, H)); d["Wn3"] = _w(ks[7], (H, H)); d["b3"] = jnp.zeros((H,), jnp.float32)
    for i in (1, 2, 3):
        d["bn%dg" % i] = jnp.ones((H,), jnp.float32)
        d["bn%db" % i] = jnp.zeros((H,), jnp.float32)
        d["bn%dm" % i] = jnp.zeros((H,), jnp.float32)
        d["bn%dv" % i] = jnp.ones((H,), jnp.float32)
    d["fc1W"] = _w(ks[8], (H, H)); d["fc1b"] = jnp.zeros((H,), jnp.float32)
    d["fc2W"] = _w(ks[9], (H, 1024)); d["fc2b"] = jnp.zeros((1024,), jnp.float32)
    d["fc3W"] = _w(ks[10], (1024, NC)); d["fc3b"] = jnp.zeros((NC,), jnp.float32)
    return d

def _sage(h, src, dst, Ws, Wn, b):
    # DGL SAGEConv(aggregator_type='mean'): rst = fc_self(h) + fc_neigh(mean_{src->dst}(h_src)) + bias
    msg = jnp.take(h, src, axis=0)
    ssum = jax.ops.segment_sum(msg, dst, num_segments=N)
    deg = jax.ops.segment_sum(jnp.ones((src.shape[0], 1), jnp.float32), dst, num_segments=N)
    h_neigh = ssum / jnp.maximum(deg, 1.0)
    return h @ Ws + h_neigh @ Wn + b

def _bn(x, g, b, m, v):
    # eval-mode BatchNorm1d with running stats
    return (x - m) / jnp.sqrt(v + 1e-5) * g + b

def _lrelu(x):
    return jnp.where(x >= 0, x, 0.01 * x)

def reference(h, edge_index, Ws1, Wn1, b1, Ws2, Wn2, b2, Ws3, Wn3, b3, bn1g, bn1b, bn1m, bn1v, bn2g, bn2b, bn2m, bn2v, bn3g, bn3b, bn3m, bn3v, fc1W, fc1b, fc2W, fc2b, fc3W, fc3b):
    src = edge_index[0]
    dst = edge_index[1]
    x = _lrelu(_bn(_sage(h, src, dst, Ws1, Wn1, b1), bn1g, bn1b, bn1m, bn1v))
    x = _lrelu(_bn(_sage(x, src, dst, Ws2, Wn2, b2), bn2g, bn2b, bn2m, bn2v))
    x = _lrelu(_bn(_sage(x, src, dst, Ws3, Wn3, b3), bn3g, bn3b, bn3m, bn3v))
    hg = jnp.mean(x, axis=0, keepdims=True)  # AvgPooling over single graph -> [1, H]
    # dropout is identity in eval mode
    y = _lrelu(hg @ fc1W + fc1b)
    y = _lrelu(y @ fc2W + fc2b)
    y = y @ fc3W + fc3b
    return y

if __name__ == "__main__":
    import jax
    _d = setup_inputs()
    print(jax.jit(kernel)(*tuple(_d.values())))

</pallas_src>

<mosaic_0001>
#map = affine_map<(d0, d1) -> (0, 0)>
module attributes {stable_mosaic.version = 14 : i64} {
  func.func @_seg_sum_body(%arg0: i32, %arg1: i32, %arg2: memref<20480x128xf32, #tpu.memory_space<hbm>>, %arg3: memref<10000x128xi32, #tpu.memory_space<hbm>>, %arg4: memref<640x128xf32, #tpu.memory_space<hbm>>, %arg5: memref<20480x128xf32, #tpu.memory_space<hbm>>, %arg6: memref<2x128xi32, #tpu.memory_space<vmem>>, %arg7: memref<128x128xf32, #tpu.memory_space<vmem>>, %arg8: memref<10240x128xf32, #tpu.memory_space<vmem_shared>>, %arg9: memref<!tpu.dma_semaphore, #tpu.memory_space<semaphore_mem>>) attributes {dimension_semantics = [#tpu.dimension_semantics<core_parallel>, #tpu.dimension_semantics<subcore_parallel>], iteration_bounds = array<i64: 2, 16>, scalar_prefetch = 0 : i64, scratch_operands = 4 : i64, tpu.core_type = #tpu.core_type<sc_vector_subcore>, window_params = [{transform_indices = #map}, {transform_indices = #map}, {transform_indices = #map}, {transform_indices = #map}]} {
    %mul3A = arith.constant 640 : i32
    %mul3A_0 = arith.muli %arg1, %mul3A : i32
    "tpu.region"() ({
      %run_scoped3A = tpu.sem_alloc : memref<!tpu.dma_semaphore, #tpu.memory_space<semaphore_mem>>
      %dma_start3A = arith.constant 0 : i32
      %dma_start3A_23 = tpu.memref_slice %arg8[%mul3A_0, %dma_start3A] : memref<10240x128xf32, #tpu.memory_space<vmem_shared>> -> memref<640x128xf32, #tpu.memory_space<vmem_shared>>
      tpu.enqueue_dma source(%arg4 : memref<640x128xf32, #tpu.memory_space<hbm>>) target(%dma_start3A_23 : memref<640x128xf32, #tpu.memory_space<vmem_shared>>) target_semaphore(%run_scoped3A : memref<!tpu.dma_semaphore, #tpu.memory_space<semaphore_mem>>)
      %dma_wait3A = arith.constant 0 : i32
      %dma_wait3A_24 = tpu.memref_slice %arg8[%mul3A_0, %dma_wait3A] : memref<10240x128xf32, #tpu.memory_space<vmem_shared>> -> memref<640x128xf32, #tpu.memory_space<vmem_shared>>
      tpu.wait_dma2 semaphore(%run_scoped3A : memref<!tpu.dma_semaphore, #tpu.memory_space<semaphore_mem>>) src(%arg4 : memref<640x128xf32, #tpu.memory_space<hbm>>) dst(%dma_wait3A_24 : memref<640x128xf32, #tpu.memory_space<vmem_shared>>)
      tpu.yield
    }) : () -> ()
    %barrier3A = arith.constant 0 : index
    tpu.barrier barrier_id(%barrier3A)
    %mul3A_1 = arith.constant 5000 : i32
    %mul3A_2 = arith.muli %arg0, %mul3A_1 : i32
    %lt3A = arith.constant 4 : i32
    %lt3A_3 = arith.cmpi slt, %arg1, %lt3A : i32
    %jit3A = arith.constant 1 : i32
    %jit3A_4 = arith.constant 0 : i32
    %select_n3A = arith.select %lt3A_3, %jit3A, %jit3A_4 : i32
    %add3A = arith.constant 156 : i32
    %add3A_5 = arith.addi %add3A, %select_n3A : i32
    %while3A = arith.constant 0 : i32
    %while3A_6 = arith.constant 0 : i32
    %while3A_7 = arith.subi %add3A_5, %while3A_6 : i32
    %while3A_8 = arith.addi %while3A_6, %while3A_7 : i32
    %while3A_9 = arith.constant 1 : i32
    %while3A_10 = arith.divsi %while3A_7, %while3A_9 : i32
    %while3A_11 = arith.muli %while3A_10, %while3A_9 : i32
    %while3A_12 = arith.addi %while3A_6, %while3A_11 : i32
    %while3A_13 = arith.constant 1 : i32
    scf.for %while3A_23 = %while3A_6 to %while3A_12 step %while3A_13  : i32 {
      %mul3A_24 = arith.constant 16 : i32
      %mul3A_25 = arith.muli %while3A_23, %mul3A_24 : i32
      %add3A_26 = arith.addi %arg1, %mul3A_25 : i32
      %mul3A_27 = arith.constant 2 : i32
      %mul3A_28 = arith.muli %add3A_26, %mul3A_27 : i32
      %add3A_29 = arith.addi %mul3A_2, %mul3A_28 : i32
      "tpu.region"() ({
        %run_scoped3A_42 = tpu.sem_alloc : memref<!tpu.dma_semaphore, #tpu.memory_space<semaphore_mem>>
        %dma_start3A_43 = arith.constant 0 : i32
        %dma_start3A_44 = tpu.memref_slice %arg3[%add3A_29, %dma_start3A_43] : memref<10000x128xi32, #tpu.memory_space<hbm>> -> memref<2x128xi32, #tpu.memory_space<hbm>>
        %dma_start3A_45 = arith.constant 0 : i32
        %dma_start3A_46 = tpu.memref_slice %arg3[%add3A_29, %dma_start3A_45] : memref<10000x128xi32, #tpu.memory_space<hbm>> -> memref<2x128xi32, #tpu.memory_space<hbm>>
        tpu.enqueue_dma source(%dma_start3A_46 : memref<2x128xi32, #tpu.memory_space<hbm>>) target(%arg6 : memref<2x128xi32, #tpu.memory_space<vmem>>) target_semaphore(%run_scoped3A_42 : memref<!tpu.dma_semaphore, #tpu.memory_space<semaphore_mem>>)
        %dma_wait3A_47 = arith.constant 0 : i32
        %dma_wait3A_48 = tpu.memref_slice %arg3[%add3A_29, %dma_wait3A_47] : memref<10000x128xi32, #tpu.memory_space<hbm>> -> memref<2x128xi32, #tpu.memory_space<hbm>>
        %dma_wait3A_49 = arith.constant 0 : i32
        %dma_wait3A_50 = tpu.memref_slice %arg3[%add3A_29, %dma_wait3A_49] : memref<10000x128xi32, #tpu.memory_space<hbm>> -> memref<2x128xi32, #tpu.memory_space<hbm>>
        tpu.wait_dma2 semaphore(%run_scoped3A_42 : memref<!tpu.dma_semaphore, #tpu.memory_space<semaphore_mem>>) src(%dma_wait3A_50 : memref<2x128xi32, #tpu.memory_space<hbm>>) dst(%arg6 : memref<2x128xi32, #tpu.memory_space<vmem>>)
        tpu.yield
      }) : () -> ()
      %dma_start3A = arith.constant 0 : i32
      %dma_start3A_30 = arith.constant 0 : i32
      %dma_start3A_31 = tpu.memref_slice %arg6[%dma_start3A, %dma_start3A_30] : memref<2x128xi32, #tpu.memory_space<vmem>> -> memref<1x128xi32, #tpu.memory_space<vmem>>
      %dma_start3A_32 = tpu.memref_squeeze %dma_start3A_31 : memref<1x128xi32, #tpu.memory_space<vmem>> -> memref<128xi32, #tpu.memory_space<vmem>>
      %dma_start3A_33 = arith.constant 0 : i32
      %dma_start3A_34 = arith.constant 0 : i32
      %dma_start3A_35 = tpu.memref_slice %arg2[%dma_start3A_33, %dma_start3A_34] : memref<20480x128xf32, #tpu.memory_space<hbm>> -> memref<20480x128xf32, #tpu.memory_space<hbm>>
      tpu.enqueue_indirect_dma source(%dma_start3A_35 : memref<20480x128xf32, #tpu.memory_space<hbm>>) target(%arg7 : memref<128x128xf32, #tpu.memory_space<vmem>>) offsets(%dma_start3A_32 : memref<128xi32, #tpu.memory_space<vmem>>) semaphore(%arg9 : memref<!tpu.dma_semaphore, #tpu.memory_space<semaphore_mem>>)
      %dma_wait3A = arith.constant 0 : i32
      %dma_wait3A_36 = arith.constant 0 : i32
      %dma_wait3A_37 = tpu.memref_slice %arg6[%dma_wait3A, %dma_wait3A_36] : memref<2x128xi32, #tpu.memory_space<vmem>> -> memref<1x128xi32, #tpu.memory_space<vmem>>
      %dma_wait3A_38 = tpu.memref_squeeze %dma_wait3A_37 : memref<1x128xi32, #tpu.memory_space<vmem>> -> memref<128xi32, #tpu.memory_space<vmem>>
      %dma_wait3A_39 = arith.constant 0 : i32
      %dma_wait3A_40 = arith.constant 0 : i32
      %dma_wait3A_41 = tpu.memref_slice %arg2[%dma_wait3A_39, %dma_wait3A_40] : memref<20480x128xf32, #tpu.memory_space<hbm>> -> memref<20480x128xf32, #tpu.memory_space<hbm>>
      tpu.wait_indirect_dma semaphore(%arg9 : memref<!tpu.dma_semaphore, #tpu.memory_space<semaphore_mem>>) src(%dma_wait3A_41 : memref<20480x128xf32, #tpu.memory_space<hbm>>) dst(%arg7 : memref<128x128xf32, #tpu.memory_space<vmem>>)
      %run_scoped3A = arith.constant 1 : i32
      "tpu.region"() ({
        %run_scoped3A_42 = tpu.sem_alloc : memref<!tpu.dma_semaphore, #tpu.memory_space<semaphore_mem>>
        %dma_start3A_43 = arith.constant 0 : i32
        %dma_start3A_44 = tpu.memref_slice %arg6[%run_scoped3A, %dma_start3A_43] : memref<2x128xi32, #tpu.memory_space<vmem>> -> memref<1x128xi32, #tpu.memory_space<vmem>>
        %dma_start3A_45 = tpu.memref_squeeze %dma_start3A_44 : memref<1x128xi32, #tpu.memory_space<vmem>> -> memref<128xi32, #tpu.memory_space<vmem>>
        %dma_start3A_46 = arith.constant 0 : i32
        %dma_start3A_47 = arith.constant 0 : i32
        %dma_start3A_48 = tpu.memref_slice %arg8[%dma_start3A_46, %dma_start3A_47] : memref<10240x128xf32, #tpu.memory_space<vmem_shared>> -> memref<10240x128xf32, #tpu.memory_space<vmem_shared>>
        tpu.enqueue_indirect_dma source(%arg7 : memref<128x128xf32, #tpu.memory_space<vmem>>) target(%dma_start3A_48 : memref<10240x128xf32, #tpu.memory_space<vmem_shared>>) offsets(%dma_start3A_45 : memref<128xi32, #tpu.memory_space<vmem>>) semaphore(%run_scoped3A_42 : memref<!tpu.dma_semaphore, #tpu.memory_space<semaphore_mem>>) {add = true}
        %dma_wait3A_49 = arith.constant 0 : i32
        %dma_wait3A_50 = tpu.memref_slice %arg6[%run_scoped3A, %dma_wait3A_49] : memref<2x128xi32, #tpu.memory_space<vmem>> -> memref<1x128xi32, #tpu.memory_space<vmem>>
        %dma_wait3A_51 = tpu.memref_squeeze %dma_wait3A_50 : memref<1x128xi32, #tpu.memory_space<vmem>> -> memref<128xi32, #tpu.memory_space<vmem>>
        %dma_wait3A_52 = arith.constant 0 : i32
        %dma_wait3A_53 = arith.constant 0 : i32
        %dma_wait3A_54 = tpu.memref_slice %arg8[%dma_wait3A_52, %dma_wait3A_53] : memref<10240x128xf32, #tpu.memory_space<vmem_shared>> -> memref<10240x128xf32, #tpu.memory_space<vmem_shared>>
        tpu.wait_indirect_dma semaphore(%run_scoped3A_42 : memref<!tpu.dma_semaphore, #tpu.memory_space<semaphore_mem>>) src(%arg7 : memref<128x128xf32, #tpu.memory_space<vmem>>) dst(%dma_wait3A_54 : memref<10240x128xf32, #tpu.memory_space<vmem_shared>>)
        tpu.yield
      }) : () -> ()
    }
    %while3A_14 = arith.constant 1 : i32
    scf.for %while3A_23 = %while3A_12 to %while3A_8 step %while3A_14  : i32 {
      %mul3A_24 = arith.constant 16 : i32
      %mul3A_25 = arith.muli %while3A_23, %mul3A_24 : i32
      %add3A_26 = arith.addi %arg1, %mul3A_25 : i32
      %mul3A_27 = arith.constant 2 : i32
      %mul3A_28 = arith.muli %add3A_26, %mul3A_27 : i32
      %add3A_29 = arith.addi %mul3A_2, %mul3A_28 : i32
      "tpu.region"() ({
        %run_scoped3A_42 = tpu.sem_alloc : memref<!tpu.dma_semaphore, #tpu.memory_space<semaphore_mem>>
        %dma_start3A_43 = arith.constant 0 : i32
        %dma_start3A_44 = tpu.memref_slice %arg3[%add3A_29, %dma_start3A_43] : memref<10000x128xi32, #tpu.memory_space<hbm>> -> memref<2x128xi32, #tpu.memory_space<hbm>>
        %dma_start3A_45 = arith.constant 0 : i32
        %dma_start3A_46 = tpu.memref_slice %arg3[%add3A_29, %dma_start3A_45] : memref<10000x128xi32, #tpu.memory_space<hbm>> -> memref<2x128xi32, #tpu.memory_space<hbm>>
        tpu.enqueue_dma source(%dma_start3A_46 : memref<2x128xi32, #tpu.memory_space<hbm>>) target(%arg6 : memref<2x128xi32, #tpu.memory_space<vmem>>) target_semaphore(%run_scoped3A_42 : memref<!tpu.dma_semaphore, #tpu.memory_space<semaphore_mem>>)
        %dma_wait3A_47 = arith.constant 0 : i32
        %dma_wait3A_48 = tpu.memref_slice %arg3[%add3A_29, %dma_wait3A_47] : memref<10000x128xi32, #tpu.memory_space<hbm>> -> memref<2x128xi32, #tpu.memory_space<hbm>>
        %dma_wait3A_49 = arith.constant 0 : i32
        %dma_wait3A_50 = tpu.memref_slice %arg3[%add3A_29, %dma_wait3A_49] : memref<10000x128xi32, #tpu.memory_space<hbm>> -> memref<2x128xi32, #tpu.memory_space<hbm>>
        tpu.wait_dma2 semaphore(%run_scoped3A_42 : memref<!tpu.dma_semaphore, #tpu.memory_space<semaphore_mem>>) src(%dma_wait3A_50 : memref<2x128xi32, #tpu.memory_space<hbm>>) dst(%arg6 : memref<2x128xi32, #tpu.memory_space<vmem>>)
        tpu.yield
      }) : () -> ()
      %dma_start3A = arith.constant 0 : i32
      %dma_start3A_30 = arith.constant 0 : i32
      %dma_start3A_31 = tpu.memref_slice %arg6[%dma_start3A, %dma_start3A_30] : memref<2x128xi32, #tpu.memory_space<vmem>> -> memref<1x128xi32, #tpu.memory_space<vmem>>
      %dma_start3A_32 = tpu.memref_squeeze %dma_start3A_31 : memref<1x128xi32, #tpu.memory_space<vmem>> -> memref<128xi32, #tpu.memory_space<vmem>>
      %dma_start3A_33 = arith.constant 0 : i32
      %dma_start3A_34 = arith.constant 0 : i32
      %dma_start3A_35 = tpu.memref_slice %arg2[%dma_start3A_33, %dma_start3A_34] : memref<20480x128xf32, #tpu.memory_space<hbm>> -> memref<20480x128xf32, #tpu.memory_space<hbm>>
      tpu.enqueue_indirect_dma source(%dma_start3A_35 : memref<20480x128xf32, #tpu.memory_space<hbm>>) target(%arg7 : memref<128x128xf32, #tpu.memory_space<vmem>>) offsets(%dma_start3A_32 : memref<128xi32, #tpu.memory_space<vmem>>) semaphore(%arg9 : memref<!tpu.dma_semaphore, #tpu.memory_space<semaphore_mem>>)
      %dma_wait3A = arith.constant 0 : i32
      %dma_wait3A_36 = arith.constant 0 : i32
      %dma_wait3A_37 = tpu.memref_slice %arg6[%dma_wait3A, %dma_wait3A_36] : memref<2x128xi32, #tpu.memory_space<vmem>> -> memref<1x128xi32, #tpu.memory_space<vmem>>
      %dma_wait3A_38 = tpu.memref_squeeze %dma_wait3A_37 : memref<1x128xi32, #tpu.memory_space<vmem>> -> memref<128xi32, #tpu.memory_space<vmem>>
      %dma_wait3A_39 = arith.constant 0 : i32
      %dma_wait3A_40 = arith.constant 0 : i32
      %dma_wait3A_41 = tpu.memref_slice %arg2[%dma_wait3A_39, %dma_wait3A_40] : memref<20480x128xf32, #tpu.memory_space<hbm>> -> memref<20480x128xf32, #tpu.memory_space<hbm>>
      tpu.wait_indirect_dma semaphore(%arg9 : memref<!tpu.dma_semaphore, #tpu.memory_space<semaphore_mem>>) src(%dma_wait3A_41 : memref<20480x128xf32, #tpu.memory_space<hbm>>) dst(%arg7 : memref<128x128xf32, #tpu.memory_space<vmem>>)
      %run_scoped3A = arith.constant 1 : i32
      "tpu.region"() ({
        %run_scoped3A_42 = tpu.sem_alloc : memref<!tpu.dma_semaphore, #tpu.memory_space<semaphore_mem>>
        %dma_start3A_43 = arith.constant 0 : i32
        %dma_start3A_44 = tpu.memref_slice %arg6[%run_scoped3A, %dma_start3A_43] : memref<2x128xi32, #tpu.memory_space<vmem>> -> memref<1x128xi32, #tpu.memory_space<vmem>>
        %dma_start3A_45 = tpu.memref_squeeze %dma_start3A_44 : memref<1x128xi32, #tpu.memory_space<vmem>> -> memref<128xi32, #tpu.memory_space<vmem>>
        %dma_start3A_46 = arith.constant 0 : i32
        %dma_start3A_47 = arith.constant 0 : i32
        %dma_start3A_48 = tpu.memref_slice %arg8[%dma_start3A_46, %dma_start3A_47] : memref<10240x128xf32, #tpu.memory_space<vmem_shared>> -> memref<10240x128xf32, #tpu.memory_space<vmem_shared>>
        tpu.enqueue_indirect_dma source(%arg7 : memref<128x128xf32, #tpu.memory_space<vmem>>) target(%dma_start3A_48 : memref<10240x128xf32, #tpu.memory_space<vmem_shared>>) offsets(%dma_start3A_45 : memref<128xi32, #tpu.memory_space<vmem>>) semaphore(%run_scoped3A_42 : memref<!tpu.dma_semaphore, #tpu.memory_space<semaphore_mem>>) {add = true}
        %dma_wait3A_49 = arith.constant 0 : i32
        %dma_wait3A_50 = tpu.memref_slice %arg6[%run_scoped3A, %dma_wait3A_49] : memref<2x128xi32, #tpu.memory_space<vmem>> -> memref<1x128xi32, #tpu.memory_space<vmem>>
        %dma_wait3A_51 = tpu.memref_squeeze %dma_wait3A_50 : memref<1x128xi32, #tpu.memory_space<vmem>> -> memref<128xi32, #tpu.memory_space<vmem>>
        %dma_wait3A_52 = arith.constant 0 : i32
        %dma_wait3A_53 = arith.constant 0 : i32
        %dma_wait3A_54 = tpu.memref_slice %arg8[%dma_wait3A_52, %dma_wait3A_53] : memref<10240x128xf32, #tpu.memory_space<vmem_shared>> -> memref<10240x128xf32, #tpu.memory_space<vmem_shared>>
        tpu.wait_indirect_dma semaphore(%run_scoped3A_42 : memref<!tpu.dma_semaphore, #tpu.memory_space<semaphore_mem>>) src(%arg7 : memref<128x128xf32, #tpu.memory_space<vmem>>) dst(%dma_wait3A_54 : memref<10240x128xf32, #tpu.memory_space<vmem_shared>>)
        tpu.yield
      }) : () -> ()
    }
    %barrier3A_15 = arith.constant 0 : index
    tpu.barrier barrier_id(%barrier3A_15)
    %mul3A_16 = arith.constant 640 : i32
    %mul3A_17 = arith.muli %arg1, %mul3A_16 : i32
    %mul3A_18 = arith.constant 10240 : i32
    %mul3A_19 = arith.muli %arg0, %mul3A_18 : i32
    %mul3A_20 = arith.constant 640 : i32
    %mul3A_21 = arith.muli %arg1, %mul3A_20 : i32
    %add3A_22 = arith.addi %mul3A_19, %mul3A_21 : i32
    "tpu.region"() ({
      %run_scoped3A = tpu.sem_alloc : memref<!tpu.dma_semaphore, #tpu.memory_space<semaphore_mem>>
      %dma_start3A = arith.constant 0 : i32
      %dma_start3A_23 = tpu.memref_slice %arg5[%add3A_22, %dma_start3A] : memref<20480x128xf32, #tpu.memory_space<hbm>> -> memref<640x128xf32, #tpu.memory_space<hbm>>
      %dma_start3A_24 = arith.constant 0 : i32
      %dma_start3A_25 = tpu.memref_slice %arg8[%mul3A_17, %dma_start3A_24] : memref<10240x128xf32, #tpu.memory_space<vmem_shared>> -> memref<640x128xf32, #tpu.memory_space<vmem_shared>>
      tpu.enqueue_dma source(%dma_start3A_25 : memref<640x128xf32, #tpu.memory_space<vmem_shared>>) target(%dma_start3A_23 : memref<640x128xf32, #tpu.memory_space<hbm>>) target_semaphore(%run_scoped3A : memref<!tpu.dma_semaphore, #tpu.memory_space<semaphore_mem>>)
      %dma_wait3A = arith.constant 0 : i32
      %dma_wait3A_26 = tpu.memref_slice %arg5[%add3A_22, %dma_wait3A] : memref<20480x128xf32, #tpu.memory_space<hbm>> -> memref<640x128xf32, #tpu.memory_space<hbm>>
      %dma_wait3A_27 = arith.constant 0 : i32
      %dma_wait3A_28 = tpu.memref_slice %arg8[%mul3A_17, %dma_wait3A_27] : memref<10240x128xf32, #tpu.memory_space<vmem_shared>> -> memref<640x128xf32, #tpu.memory_space<vmem_shared>>
      tpu.wait_dma2 semaphore(%run_scoped3A : memref<!tpu.dma_semaphore, #tpu.memory_space<semaphore_mem>>) src(%dma_wait3A_28 : memref<640x128xf32, #tpu.memory_space<vmem_shared>>) dst(%dma_wait3A_26 : memref<640x128xf32, #tpu.memory_space<hbm>>)
      tpu.yield
    }) : () -> ()
    return
  }
}

#map = affine_map<(d0, d1) -> (0, 0)>
module attributes {stable_mosaic.version = 14 : i64} {
  func.func @_seg_sum_body(%arg0: i32, %arg1: i32, %arg2: memref<20480x128xf32, #tpu.memory_space<hbm>>, %arg3: memref<10000x128xi32, #tpu.memory_space<hbm>>, %arg4: memref<640x128xf32, #tpu.memory_space<hbm>>, %arg5: memref<20480x128xf32, #tpu.memory_space<hbm>>, %arg6: memref<2x128xi32, #tpu.memory_space<vmem>>, %arg7: memref<128x128xf32, #tpu.memory_space<vmem>>, %arg8: memref<10240x128xf32, #tpu.memory_space<vmem_shared>>, %arg9: memref<!tpu.dma_semaphore, #tpu.memory_space<semaphore_mem>>) attributes {dimension_semantics = [#tpu.dimension_semantics<core_parallel>, #tpu.dimension_semantics<subcore_parallel>], iteration_bounds = array<i64: 2, 16>, scalar_prefetch = 0 : i64, scratch_operands = 4 : i64, tpu.core_type = #tpu.core_type<sc_vector_subcore>, window_params = [{transform_indices = #map}, {transform_indices = #map}, {transform_indices = #map}, {transform_indices = #map}]} {
    %mul3A = arith.constant 640 : i32
    %mul3A_0 = arith.muli %arg1, %mul3A : i32
    "tpu.region"() ({
      %run_scoped3A = tpu.sem_alloc : memref<!tpu.dma_semaphore, #tpu.memory_space<semaphore_mem>>
      %dma_start3A = arith.constant 0 : i32
      %dma_start3A_23 = tpu.memref_slice %arg8[%mul3A_0, %dma_start3A] : memref<10240x128xf32, #tpu.memory_space<vmem_shared>> -> memref<640x128xf32, #tpu.memory_space<vmem_shared>>
      tpu.enqueue_dma source(%arg4 : memref<640x128xf32, #tpu.memory_space<hbm>>) target(%dma_start3A_23 : memref<640x128xf32, #tpu.memory_space<vmem_shared>>) target_semaphore(%run_scoped3A : memref<!tpu.dma_semaphore, #tpu.memory_space<semaphore_mem>>)
      %dma_wait3A = arith.constant 0 : i32
      %dma_wait3A_24 = tpu.memref_slice %arg8[%mul3A_0, %dma_wait3A] : memref<10240x128xf32, #tpu.memory_space<vmem_shared>> -> memref<640x128xf32, #tpu.memory_space<vmem_shared>>
      tpu.wait_dma2 semaphore(%run_scoped3A : memref<!tpu.dma_semaphore, #tpu.memory_space<semaphore_mem>>) src(%arg4 : memref<640x128xf32, #tpu.memory_space<hbm>>) dst(%dma_wait3A_24 : memref<640x128xf32, #tpu.memory_space<vmem_shared>>)
      tpu.yield
    }) : () -> ()
    %barrier3A = arith.constant 0 : index
    tpu.barrier barrier_id(%barrier3A)
    %mul3A_1 = arith.constant 5000 : i32
    %mul3A_2 = arith.muli %arg0, %mul3A_1 : i32
    %lt3A = arith.constant 4 : i32
    %lt3A_3 = arith.cmpi slt, %arg1, %lt3A : i32
    %jit3A = arith.constant 1 : i32
    %jit3A_4 = arith.constant 0 : i32
    %select_n3A = arith.select %lt3A_3, %jit3A, %jit3A_4 : i32
    %add3A = arith.constant 156 : i32
    %add3A_5 = arith.addi %add3A, %select_n3A : i32
    %while3A = arith.constant 0 : i32
    %while3A_6 = arith.constant 0 : i32
    %while3A_7 = arith.subi %add3A_5, %while3A_6 : i32
    %while3A_8 = arith.addi %while3A_6, %while3A_7 : i32
    %while3A_9 = arith.constant 1 : i32
    %while3A_10 = arith.divsi %while3A_7, %while3A_9 : i32
    %while3A_11 = arith.muli %while3A_10, %while3A_9 : i32
    %while3A_12 = arith.addi %while3A_6, %while3A_11 : i32
    %while3A_13 = arith.constant 1 : i32
    scf.for %while3A_23 = %while3A_6 to %while3A_12 step %while3A_13  : i32 {
      %mul3A_24 = arith.constant 16 : i32
      %mul3A_25 = arith.muli %while3A_23, %mul3A_24 : i32
      %add3A_26 = arith.addi %arg1, %mul3A_25 : i32
      %mul3A_27 = arith.constant 2 : i32
      %mul3A_28 = arith.muli %add3A_26, %mul3A_27 : i32
      %add3A_29 = arith.addi %mul3A_2, %mul3A_28 : i32
      "tpu.region"() ({
        %run_scoped3A_42 = tpu.sem_alloc : memref<!tpu.dma_semaphore, #tpu.memory_space<semaphore_mem>>
        %dma_start3A_43 = arith.constant 0 : i32
        %dma_start3A_44 = tpu.memref_slice %arg3[%add3A_29, %dma_start3A_43] : memref<10000x128xi32, #tpu.memory_space<hbm>> -> memref<2x128xi32, #tpu.memory_space<hbm>>
        %dma_start3A_45 = arith.constant 0 : i32
        %dma_start3A_46 = tpu.memref_slice %arg3[%add3A_29, %dma_start3A_45] : memref<10000x128xi32, #tpu.memory_space<hbm>> -> memref<2x128xi32, #tpu.memory_space<hbm>>
        tpu.enqueue_dma source(%dma_start3A_46 : memref<2x128xi32, #tpu.memory_space<hbm>>) target(%arg6 : memref<2x128xi32, #tpu.memory_space<vmem>>) target_semaphore(%run_scoped3A_42 : memref<!tpu.dma_semaphore, #tpu.memory_space<semaphore_mem>>)
        %dma_wait3A_47 = arith.constant 0 : i32
        %dma_wait3A_48 = tpu.memref_slice %arg3[%add3A_29, %dma_wait3A_47] : memref<10000x128xi32, #tpu.memory_space<hbm>> -> memref<2x128xi32, #tpu.memory_space<hbm>>
        %dma_wait3A_49 = arith.constant 0 : i32
        %dma_wait3A_50 = tpu.memref_slice %arg3[%add3A_29, %dma_wait3A_49] : memref<10000x128xi32, #tpu.memory_space<hbm>> -> memref<2x128xi32, #tpu.memory_space<hbm>>
        tpu.wait_dma2 semaphore(%run_scoped3A_42 : memref<!tpu.dma_semaphore, #tpu.memory_space<semaphore_mem>>) src(%dma_wait3A_50 : memref<2x128xi32, #tpu.memory_space<hbm>>) dst(%arg6 : memref<2x128xi32, #tpu.memory_space<vmem>>)
        tpu.yield
      }) : () -> ()
      %dma_start3A = arith.constant 0 : i32
      %dma_start3A_30 = arith.constant 0 : i32
      %dma_start3A_31 = tpu.memref_slice %arg6[%dma_start3A, %dma_start3A_30] : memref<2x128xi32, #tpu.memory_space<vmem>> -> memref<1x128xi32, #tpu.memory_space<vmem>>
      %dma_start3A_32 = tpu.memref_squeeze %dma_start3A_31 : memref<1x128xi32, #tpu.memory_space<vmem>> -> memref<128xi32, #tpu.memory_space<vmem>>
      %dma_start3A_33 = arith.constant 0 : i32
      %dma_start3A_34 = arith.constant 0 : i32
      %dma_start3A_35 = tpu.memref_slice %arg2[%dma_start3A_33, %dma_start3A_34] : memref<20480x128xf32, #tpu.memory_space<hbm>> -> memref<20480x128xf32, #tpu.memory_space<hbm>>
      tpu.enqueue_indirect_dma source(%dma_start3A_35 : memref<20480x128xf32, #tpu.memory_space<hbm>>) target(%arg7 : memref<128x128xf32, #tpu.memory_space<vmem>>) offsets(%dma_start3A_32 : memref<128xi32, #tpu.memory_space<vmem>>) semaphore(%arg9 : memref<!tpu.dma_semaphore, #tpu.memory_space<semaphore_mem>>)
      %dma_wait3A = arith.constant 0 : i32
      %dma_wait3A_36 = arith.constant 0 : i32
      %dma_wait3A_37 = tpu.memref_slice %arg6[%dma_wait3A, %dma_wait3A_36] : memref<2x128xi32, #tpu.memory_space<vmem>> -> memref<1x128xi32, #tpu.memory_space<vmem>>
      %dma_wait3A_38 = tpu.memref_squeeze %dma_wait3A_37 : memref<1x128xi32, #tpu.memory_space<vmem>> -> memref<128xi32, #tpu.memory_space<vmem>>
      %dma_wait3A_39 = arith.constant 0 : i32
      %dma_wait3A_40 = arith.constant 0 : i32
      %dma_wait3A_41 = tpu.memref_slice %arg2[%dma_wait3A_39, %dma_wait3A_40] : memref<20480x128xf32, #tpu.memory_space<hbm>> -> memref<20480x128xf32, #tpu.memory_space<hbm>>
      tpu.wait_indirect_dma semaphore(%arg9 : memref<!tpu.dma_semaphore, #tpu.memory_space<semaphore_mem>>) src(%dma_wait3A_41 : memref<20480x128xf32, #tpu.memory_space<hbm>>) dst(%arg7 : memref<128x128xf32, #tpu.memory_space<vmem>>)
      %run_scoped3A = arith.constant 1 : i32
      "tpu.region"() ({
        %run_scoped3A_42 = tpu.sem_alloc : memref<!tpu.dma_semaphore, #tpu.memory_space<semaphore_mem>>
        %dma_start3A_43 = arith.constant 0 : i32
        %dma_start3A_44 = tpu.memref_slice %arg6[%run_scoped3A, %dma_start3A_43] : memref<2x128xi32, #tpu.memory_space<vmem>> -> memref<1x128xi32, #tpu.memory_space<vmem>>
        %dma_start3A_45 = tpu.memref_squeeze %dma_start3A_44 : memref<1x128xi32, #tpu.memory_space<vmem>> -> memref<128xi32, #tpu.memory_space<vmem>>
        %dma_start3A_46 = arith.constant 0 : i32
        %dma_start3A_47 = arith.constant 0 : i32
        %dma_start3A_48 = tpu.memref_slice %arg8[%dma_start3A_46, %dma_start3A_47] : memref<10240x128xf32, #tpu.memory_space<vmem_shared>> -> memref<10240x128xf32, #tpu.memory_space<vmem_shared>>
        tpu.enqueue_indirect_dma source(%arg7 : memref<128x128xf32, #tpu.memory_space<vmem>>) target(%dma_start3A_48 : memref<10240x128xf32, #tpu.memory_space<vmem_shared>>) offsets(%dma_start3A_45 : memref<128xi32, #tpu.memory_space<vmem>>) semaphore(%run_scoped3A_42 : memref<!tpu.dma_semaphore, #tpu.memory_space<semaphore_mem>>) {add = true}
        %dma_wait3A_49 = arith.constant 0 : i32
        %dma_wait3A_50 = tpu.memref_slice %arg6[%run_scoped3A, %dma_wait3A_49] : memref<2x128xi32, #tpu.memory_space<vmem>> -> memref<1x128xi32, #tpu.memory_space<vmem>>
        %dma_wait3A_51 = tpu.memref_squeeze %dma_wait3A_50 : memref<1x128xi32, #tpu.memory_space<vmem>> -> memref<128xi32, #tpu.memory_space<vmem>>
        %dma_wait3A_52 = arith.constant 0 : i32
        %dma_wait3A_53 = arith.constant 0 : i32
        %dma_wait3A_54 = tpu.memref_slice %arg8[%dma_wait3A_52, %dma_wait3A_53] : memref<10240x128xf32, #tpu.memory_space<vmem_shared>> -> memref<10240x128xf32, #tpu.memory_space<vmem_shared>>
        tpu.wait_indirect_dma semaphore(%run_scoped3A_42 : memref<!tpu.dma_semaphore, #tpu.memory_space<semaphore_mem>>) src(%arg7 : memref<128x128xf32, #tpu.memory_space<vmem>>) dst(%dma_wait3A_54 : memref<10240x128xf32, #tpu.memory_space<vmem_shared>>)
        tpu.yield
      }) : () -> ()
    }
    %while3A_14 = arith.constant 1 : i32
    scf.for %while3A_23 = %while3A_12 to %while3A_8 step %while3A_14  : i32 {
      %mul3A_24 = arith.constant 16 : i32
      %mul3A_25 = arith.muli %while3A_23, %mul3A_24 : i32
      %add3A_26 = arith.addi %arg1, %mul3A_25 : i32
      %mul3A_27 = arith.constant 2 : i32
      %mul3A_28 = arith.muli %add3A_26, %mul3A_27 : i32
      %add3A_29 = arith.addi %mul3A_2, %mul3A_28 : i32
      "tpu.region"() ({
        %run_scoped3A_42 = tpu.sem_alloc : memref<!tpu.dma_semaphore, #tpu.memory_space<semaphore_mem>>
        %dma_start3A_43 = arith.constant 0 : i32
        %dma_start3A_44 = tpu.memref_slice %arg3[%add3A_29, %dma_start3A_43] : memref<10000x128xi32, #tpu.memory_space<hbm>> -> memref<2x128xi32, #tpu.memory_space<hbm>>
        %dma_start3A_45 = arith.constant 0 : i32
        %dma_start3A_46 = tpu.memref_slice %arg3[%add3A_29, %dma_start3A_45] : memref<10000x128xi32, #tpu.memory_space<hbm>> -> memref<2x128xi32, #tpu.memory_space<hbm>>
        tpu.enqueue_dma source(%dma_start3A_46 : memref<2x128xi32, #tpu.memory_space<hbm>>) target(%arg6 : memref<2x128xi32, #tpu.memory_space<vmem>>) target_semaphore(%run_scoped3A_42 : memref<!tpu.dma_semaphore, #tpu.memory_space<semaphore_mem>>)
        %dma_wait3A_47 = arith.constant 0 : i32
        %dma_wait3A_48 = tpu.memref_slice %arg3[%add3A_29, %dma_wait3A_47] : memref<10000x128xi32, #tpu.memory_space<hbm>> -> memref<2x128xi32, #tpu.memory_space<hbm>>
        %dma_wait3A_49 = arith.constant 0 : i32
        %dma_wait3A_50 = tpu.memref_slice %arg3[%add3A_29, %dma_wait3A_49] : memref<10000x128xi32, #tpu.memory_space<hbm>> -> memref<2x128xi32, #tpu.memory_space<hbm>>
        tpu.wait_dma2 semaphore(%run_scoped3A_42 : memref<!tpu.dma_semaphore, #tpu.memory_space<semaphore_mem>>) src(%dma_wait3A_50 : memref<2x128xi32, #tpu.memory_space<hbm>>) dst(%arg6 : memref<2x128xi32, #tpu.memory_space<vmem>>)
        tpu.yield
      }) : () -> ()
      %dma_start3A = arith.constant 0 : i32
      %dma_start3A_30 = arith.constant 0 : i32
      %dma_start3A_31 = tpu.memref_slice %arg6[%dma_start3A, %dma_start3A_30] : memref<2x128xi32, #tpu.memory_space<vmem>> -> memref<1x128xi32, #tpu.memory_space<vmem>>
      %dma_start3A_32 = tpu.memref_squeeze %dma_start3A_31 : memref<1x128xi32, #tpu.memory_space<vmem>> -> memref<128xi32, #tpu.memory_space<vmem>>
      %dma_start3A_33 = arith.constant 0 : i32
      %dma_start3A_34 = arith.constant 0 : i32
      %dma_start3A_35 = tpu.memref_slice %arg2[%dma_start3A_33, %dma_start3A_34] : memref<20480x128xf32, #tpu.memory_space<hbm>> -> memref<20480x128xf32, #tpu.memory_space<hbm>>
      tpu.enqueue_indirect_dma source(%dma_start3A_35 : memref<20480x128xf32, #tpu.memory_space<hbm>>) target(%arg7 : memref<128x128xf32, #tpu.memory_space<vmem>>) offsets(%dma_start3A_32 : memref<128xi32, #tpu.memory_space<vmem>>) semaphore(%arg9 : memref<!tpu.dma_semaphore, #tpu.memory_space<semaphore_mem>>)
      %dma_wait3A = arith.constant 0 : i32
      %dma_wait3A_36 = arith.constant 0 : i32
      %dma_wait3A_37 = tpu.memref_slice %arg6[%dma_wait3A, %dma_wait3A_36] : memref<2x128xi32, #tpu.memory_space<vmem>> -> memref<1x128xi32, #tpu.memory_space<vmem>>
      %dma_wait3A_38 = tpu.memref_squeeze %dma_wait3A_37 : memref<1x128xi32, #tpu.memory_space<vmem>> -> memref<128xi32, #tpu.memory_space<vmem>>
      %dma_wait3A_39 = arith.constant 0 : i32
      %dma_wait3A_40 = arith.constant 0 : i32
      %dma_wait3A_41 = tpu.memref_slice %arg2[%dma_wait3A_39, %dma_wait3A_40] : memref<20480x128xf32, #tpu.memory_space<hbm>> -> memref<20480x128xf32, #tpu.memory_space<hbm>>
      tpu.wait_indirect_dma semaphore(%arg9 : memref<!tpu.dma_semaphore, #tpu.memory_space<semaphore_mem>>) src(%dma_wait3A_41 : memref<20480x128xf32, #tpu.memory_space<hbm>>) dst(%arg7 : memref<128x128xf32, #tpu.memory_space<vmem>>)
      %run_scoped3A = arith.constant 1 : i32
      "tpu.region"() ({
        %run_scoped3A_42 = tpu.sem_alloc : memref<!tpu.dma_semaphore, #tpu.memory_space<semaphore_mem>>
        %dma_start3A_43 = arith.constant 0 : i32
        %dma_start3A_44 = tpu.memref_slice %arg6[%run_scoped3A, %dma_start3A_43] : memref<2x128xi32, #tpu.memory_space<vmem>> -> memref<1x128xi32, #tpu.memory_space<vmem>>
        %dma_start3A_45 = tpu.memref_squeeze %dma_start3A_44 : memref<1x128xi32, #tpu.memory_space<vmem>> -> memref<128xi32, #tpu.memory_space<vmem>>
        %dma_start3A_46 = arith.constant 0 : i32
        %dma_start3A_47 = arith.constant 0 : i32
        %dma_start3A_48 = tpu.memref_slice %arg8[%dma_start3A_46, %dma_start3A_47] : memref<10240x128xf32, #tpu.memory_space<vmem_shared>> -> memref<10240x128xf32, #tpu.memory_space<vmem_shared>>
        tpu.enqueue_indirect_dma source(%arg7 : memref<128x128xf32, #tpu.memory_space<vmem>>) target(%dma_start3A_48 : memref<10240x128xf32, #tpu.memory_space<vmem_shared>>) offsets(%dma_start3A_45 : memref<128xi32, #tpu.memory_space<vmem>>) semaphore(%run_scoped3A_42 : memref<!tpu.dma_semaphore, #tpu.memory_space<semaphore_mem>>) {add = true}
        %dma_wait3A_49 = arith.constant 0 : i32
        %dma_wait3A_50 = tpu.memref_slice %arg6[%run_scoped3A, %dma_wait3A_49] : memref<2x128xi32, #tpu.memory_space<vmem>> -> memref<1x128xi32, #tpu.memory_space<vmem>>
        %dma_wait3A_51 = tpu.memref_squeeze %dma_wait3A_50 : memref<1x128xi32, #tpu.memory_space<vmem>> -> memref<128xi32, #tpu.memory_space<vmem>>
        %dma_wait3A_52 = arith.constant 0 : i32
        %dma_wait3A_53 = arith.constant 0 : i32
        %dma_wait3A_54 = tpu.memref_slice %arg8[%dma_wait3A_52, %dma_wait3A_53] : memref<10240x128xf32, #tpu.memory_space<vmem_shared>> -> memref<10240x128xf32, #tpu.memory_space<vmem_shared>>
        tpu.wait_indirect_dma semaphore(%run_scoped3A_42 : memref<!tpu.dma_semaphore, #tpu.memory_space<semaphore_mem>>) src(%arg7 : memref<128x128xf32, #tpu.memory_space<vmem>>) dst(%dma_wait3A_54 : memref<10240x128xf32, #tpu.memory_space<vmem_shared>>)
        tpu.yield
      }) : () -> ()
    }
    %barrier3A_15 = arith.constant 0 : index
    tpu.barrier barrier_id(%barrier3A_15)
    %mul3A_16 = arith.constant 640 : i32
    %mul3A_17 = arith.muli %arg1, %mul3A_16 : i32
    %mul3A_18 = arith.constant 10240 : i32
    %mul3A_19 = arith.muli %arg0, %mul3A_18 : i32
    %mul3A_20 = arith.constant 640 : i32
    %mul3A_21 = arith.muli %arg1, %mul3A_20 : i32
    %add3A_22 = arith.addi %mul3A_19, %mul3A_21 : i32
    "tpu.region"() ({
      %run_scoped3A = tpu.sem_alloc : memref<!tpu.dma_semaphore, #tpu.memory_space<semaphore_mem>>
      %dma_start3A = arith.constant 0 : i32
      %dma_start3A_23 = tpu.memref_slice %arg5[%add3A_22, %dma_start3A] : memref<20480x128xf32, #tpu.memory_space<hbm>> -> memref<640x128xf32, #tpu.memory_space<hbm>>
      %dma_start3A_24 = arith.constant 0 : i32
      %dma_start3A_25 = tpu.memref_slice %arg8[%mul3A_17, %dma_start3A_24] : memref<10240x128xf32, #tpu.memory_space<vmem_shared>> -> memref<640x128xf32, #tpu.memory_space<vmem_shared>>
      tpu.enqueue_dma source(%dma_start3A_25 : memref<640x128xf32, #tpu.memory_space<vmem_shared>>) target(%dma_start3A_23 : memref<640x128xf32, #tpu.memory_space<hbm>>) target_semaphore(%run_scoped3A : memref<!tpu.dma_semaphore, #tpu.memory_space<semaphore_mem>>)
      %dma_wait3A = arith.constant 0 : i32
      %dma_wait3A_26 = tpu.memref_slice %arg5[%add3A_22, %dma_wait3A] : memref<20480x128xf32, #tpu.memory_space<hbm>> -> memref<640x128xf32, #tpu.memory_space<hbm>>
      %dma_wait3A_27 = arith.constant 0 : i32
      %dma_wait3A_28 = tpu.memref_slice %arg8[%mul3A_17, %dma_wait3A_27] : memref<10240x128xf32, #tpu.memory_space<vmem_shared>> -> memref<640x128xf32, #tpu.memory_space<vmem_shared>>
      tpu.wait_dma2 semaphore(%run_scoped3A : memref<!tpu.dma_semaphore, #tpu.memory_space<semaphore_mem>>) src(%dma_wait3A_28 : memref<640x128xf32, #tpu.memory_space<vmem_shared>>) dst(%dma_wait3A_26 : memref<640x128xf32, #tpu.memory_space<hbm>>)
      tpu.yield
    }) : () -> ()
    return
  }
}

#map = affine_map<(d0, d1) -> (0, 0)>
module attributes {stable_mosaic.version = 14 : i64} {
  func.func @_seg_sum_body(%arg0: i32, %arg1: i32, %arg2: memref<20480x128xf32, #tpu.memory_space<hbm>>, %arg3: memref<10000x128xi32, #tpu.memory_space<hbm>>, %arg4: memref<640x128xf32, #tpu.memory_space<hbm>>, %arg5: memref<20480x128xf32, #tpu.memory_space<hbm>>, %arg6: memref<2x128xi32, #tpu.memory_space<vmem>>, %arg7: memref<128x128xf32, #tpu.memory_space<vmem>>, %arg8: memref<10240x128xf32, #tpu.memory_space<vmem_shared>>, %arg9: memref<!tpu.dma_semaphore, #tpu.memory_space<semaphore_mem>>) attributes {dimension_semantics = [#tpu.dimension_semantics<core_parallel>, #tpu.dimension_semantics<subcore_parallel>], iteration_bounds = array<i64: 2, 16>, scalar_prefetch = 0 : i64, scratch_operands = 4 : i64, tpu.core_type = #tpu.core_type<sc_vector_subcore>, window_params = [{transform_indices = #map}, {transform_indices = #map}, {transform_indices = #map}, {transform_indices = #map}]} {
    %mul3A = arith.constant 640 : i32
    %mul3A_0 = arith.muli %arg1, %mul3A : i32
    "tpu.region"() ({
      %run_scoped3A = tpu.sem_alloc : memref<!tpu.dma_semaphore, #tpu.memory_space<semaphore_mem>>
      %dma_start3A = arith.constant 0 : i32
      %dma_start3A_23 = tpu.memref_slice %arg8[%mul3A_0, %dma_start3A] : memref<10240x128xf32, #tpu.memory_space<vmem_shared>> -> memref<640x128xf32, #tpu.memory_space<vmem_shared>>
      tpu.enqueue_dma source(%arg4 : memref<640x128xf32, #tpu.memory_space<hbm>>) target(%dma_start3A_23 : memref<640x128xf32, #tpu.memory_space<vmem_shared>>) target_semaphore(%run_scoped3A : memref<!tpu.dma_semaphore, #tpu.memory_space<semaphore_mem>>)
      %dma_wait3A = arith.constant 0 : i32
      %dma_wait3A_24 = tpu.memref_slice %arg8[%mul3A_0, %dma_wait3A] : memref<10240x128xf32, #tpu.memory_space<vmem_shared>> -> memref<640x128xf32, #tpu.memory_space<vmem_shared>>
      tpu.wait_dma2 semaphore(%run_scoped3A : memref<!tpu.dma_semaphore, #tpu.memory_space<semaphore_mem>>) src(%arg4 : memref<640x128xf32, #tpu.memory_space<hbm>>) dst(%dma_wait3A_24 : memref<640x128xf32, #tpu.memory_space<vmem_shared>>)
      tpu.yield
    }) : () -> ()
    %barrier3A = arith.constant 0 : index
    tpu.barrier barrier_id(%barrier3A)
    %mul3A_1 = arith.constant 5000 : i32
    %mul3A_2 = arith.muli %arg0, %mul3A_1 : i32
    %lt3A = arith.constant 4 : i32
    %lt3A_3 = arith.cmpi slt, %arg1, %lt3A : i32
    %jit3A = arith.constant 1 : i32
    %jit3A_4 = arith.constant 0 : i32
    %select_n3A = arith.select %lt3A_3, %jit3A, %jit3A_4 : i32
    %add3A = arith.constant 156 : i32
    %add3A_5 = arith.addi %add3A, %select_n3A : i32
    %while3A = arith.constant 0 : i32
    %while3A_6 = arith.constant 0 : i32
    %while3A_7 = arith.subi %add3A_5, %while3A_6 : i32
    %while3A_8 = arith.addi %while3A_6, %while3A_7 : i32
    %while3A_9 = arith.constant 1 : i32
    %while3A_10 = arith.divsi %while3A_7, %while3A_9 : i32
    %while3A_11 = arith.muli %while3A_10, %while3A_9 : i32
    %while3A_12 = arith.addi %while3A_6, %while3A_11 : i32
    %while3A_13 = arith.constant 1 : i32
    scf.for %while3A_23 = %while3A_6 to %while3A_12 step %while3A_13  : i32 {
      %mul3A_24 = arith.constant 16 : i32
      %mul3A_25 = arith.muli %while3A_23, %mul3A_24 : i32
      %add3A_26 = arith.addi %arg1, %mul3A_25 : i32
      %mul3A_27 = arith.constant 2 : i32
      %mul3A_28 = arith.muli %add3A_26, %mul3A_27 : i32
      %add3A_29 = arith.addi %mul3A_2, %mul3A_28 : i32
      "tpu.region"() ({
        %run_scoped3A_42 = tpu.sem_alloc : memref<!tpu.dma_semaphore, #tpu.memory_space<semaphore_mem>>
        %dma_start3A_43 = arith.constant 0 : i32
        %dma_start3A_44 = tpu.memref_slice %arg3[%add3A_29, %dma_start3A_43] : memref<10000x128xi32, #tpu.memory_space<hbm>> -> memref<2x128xi32, #tpu.memory_space<hbm>>
        %dma_start3A_45 = arith.constant 0 : i32
        %dma_start3A_46 = tpu.memref_slice %arg3[%add3A_29, %dma_start3A_45] : memref<10000x128xi32, #tpu.memory_space<hbm>> -> memref<2x128xi32, #tpu.memory_space<hbm>>
        tpu.enqueue_dma source(%dma_start3A_46 : memref<2x128xi32, #tpu.memory_space<hbm>>) target(%arg6 : memref<2x128xi32, #tpu.memory_space<vmem>>) target_semaphore(%run_scoped3A_42 : memref<!tpu.dma_semaphore, #tpu.memory_space<semaphore_mem>>)
        %dma_wait3A_47 = arith.constant 0 : i32
        %dma_wait3A_48 = tpu.memref_slice %arg3[%add3A_29, %dma_wait3A_47] : memref<10000x128xi32, #tpu.memory_space<hbm>> -> memref<2x128xi32, #tpu.memory_space<hbm>>
        %dma_wait3A_49 = arith.constant 0 : i32
        %dma_wait3A_50 = tpu.memref_slice %arg3[%add3A_29, %dma_wait3A_49] : memref<10000x128xi32, #tpu.memory_space<hbm>> -> memref<2x128xi32, #tpu.memory_space<hbm>>
        tpu.wait_dma2 semaphore(%run_scoped3A_42 : memref<!tpu.dma_semaphore, #tpu.memory_space<semaphore_mem>>) src(%dma_wait3A_50 : memref<2x128xi32, #tpu.memory_space<hbm>>) dst(%arg6 : memref<2x128xi32, #tpu.memory_space<vmem>>)
        tpu.yield
      }) : () -> ()
      %dma_start3A = arith.constant 0 : i32
      %dma_start3A_30 = arith.constant 0 : i32
      %dma_start3A_31 = tpu.memref_slice %arg6[%dma_start3A, %dma_start3A_30] : memref<2x128xi32, #tpu.memory_space<vmem>> -> memref<1x128xi32, #tpu.memory_space<vmem>>
      %dma_start3A_32 = tpu.memref_squeeze %dma_start3A_31 : memref<1x128xi32, #tpu.memory_space<vmem>> -> memref<128xi32, #tpu.memory_space<vmem>>
      %dma_start3A_33 = arith.constant 0 : i32
      %dma_start3A_34 = arith.constant 0 : i32
      %dma_start3A_35 = tpu.memref_slice %arg2[%dma_start3A_33, %dma_start3A_34] : memref<20480x128xf32, #tpu.memory_space<hbm>> -> memref<20480x128xf32, #tpu.memory_space<hbm>>
      tpu.enqueue_indirect_dma source(%dma_start3A_35 : memref<20480x128xf32, #tpu.memory_space<hbm>>) target(%arg7 : memref<128x128xf32, #tpu.memory_space<vmem>>) offsets(%dma_start3A_32 : memref<128xi32, #tpu.memory_space<vmem>>) semaphore(%arg9 : memref<!tpu.dma_semaphore, #tpu.memory_space<semaphore_mem>>)
      %dma_wait3A = arith.constant 0 : i32
      %dma_wait3A_36 = arith.constant 0 : i32
      %dma_wait3A_37 = tpu.memref_slice %arg6[%dma_wait3A, %dma_wait3A_36] : memref<2x128xi32, #tpu.memory_space<vmem>> -> memref<1x128xi32, #tpu.memory_space<vmem>>
      %dma_wait3A_38 = tpu.memref_squeeze %dma_wait3A_37 : memref<1x128xi32, #tpu.memory_space<vmem>> -> memref<128xi32, #tpu.memory_space<vmem>>
      %dma_wait3A_39 = arith.constant 0 : i32
      %dma_wait3A_40 = arith.constant 0 : i32
      %dma_wait3A_41 = tpu.memref_slice %arg2[%dma_wait3A_39, %dma_wait3A_40] : memref<20480x128xf32, #tpu.memory_space<hbm>> -> memref<20480x128xf32, #tpu.memory_space<hbm>>
      tpu.wait_indirect_dma semaphore(%arg9 : memref<!tpu.dma_semaphore, #tpu.memory_space<semaphore_mem>>) src(%dma_wait3A_41 : memref<20480x128xf32, #tpu.memory_space<hbm>>) dst(%arg7 : memref<128x128xf32, #tpu.memory_space<vmem>>)
      %run_scoped3A = arith.constant 1 : i32
      "tpu.region"() ({
        %run_scoped3A_42 = tpu.sem_alloc : memref<!tpu.dma_semaphore, #tpu.memory_space<semaphore_mem>>
        %dma_start3A_43 = arith.constant 0 : i32
        %dma_start3A_44 = tpu.memref_slice %arg6[%run_scoped3A, %dma_start3A_43] : memref<2x128xi32, #tpu.memory_space<vmem>> -> memref<1x128xi32, #tpu.memory_space<vmem>>
        %dma_start3A_45 = tpu.memref_squeeze %dma_start3A_44 : memref<1x128xi32, #tpu.memory_space<vmem>> -> memref<128xi32, #tpu.memory_space<vmem>>
        %dma_start3A_46 = arith.constant 0 : i32
        %dma_start3A_47 = arith.constant 0 : i32
        %dma_start3A_48 = tpu.memref_slice %arg8[%dma_start3A_46, %dma_start3A_47] : memref<10240x128xf32, #tpu.memory_space<vmem_shared>> -> memref<10240x128xf32, #tpu.memory_space<vmem_shared>>
        tpu.enqueue_indirect_dma source(%arg7 : memref<128x128xf32, #tpu.memory_space<vmem>>) target(%dma_start3A_48 : memref<10240x128xf32, #tpu.memory_space<vmem_shared>>) offsets(%dma_start3A_45 : memref<128xi32, #tpu.memory_space<vmem>>) semaphore(%run_scoped3A_42 : memref<!tpu.dma_semaphore, #tpu.memory_space<semaphore_mem>>) {add = true}
        %dma_wait3A_49 = arith.constant 0 : i32
        %dma_wait3A_50 = tpu.memref_slice %arg6[%run_scoped3A, %dma_wait3A_49] : memref<2x128xi32, #tpu.memory_space<vmem>> -> memref<1x128xi32, #tpu.memory_space<vmem>>
        %dma_wait3A_51 = tpu.memref_squeeze %dma_wait3A_50 : memref<1x128xi32, #tpu.memory_space<vmem>> -> memref<128xi32, #tpu.memory_space<vmem>>
        %dma_wait3A_52 = arith.constant 0 : i32
        %dma_wait3A_53 = arith.constant 0 : i32
        %dma_wait3A_54 = tpu.memref_slice %arg8[%dma_wait3A_52, %dma_wait3A_53] : memref<10240x128xf32, #tpu.memory_space<vmem_shared>> -> memref<10240x128xf32, #tpu.memory_space<vmem_shared>>
        tpu.wait_indirect_dma semaphore(%run_scoped3A_42 : memref<!tpu.dma_semaphore, #tpu.memory_space<semaphore_mem>>) src(%arg7 : memref<128x128xf32, #tpu.memory_space<vmem>>) dst(%dma_wait3A_54 : memref<10240x128xf32, #tpu.memory_space<vmem_shared>>)
        tpu.yield
      }) : () -> ()
    }
    %while3A_14 = arith.constant 1 : i32
    scf.for %while3A_23 = %while3A_12 to %while3A_8 step %while3A_14  : i32 {
      %mul3A_24 = arith.constant 16 : i32
      %mul3A_25 = arith.muli %while3A_23, %mul3A_24 : i32
      %add3A_26 = arith.addi %arg1, %mul3A_25 : i32
      %mul3A_27 = arith.constant 2 : i32
      %mul3A_28 = arith.muli %add3A_26, %mul3A_27 : i32
      %add3A_29 = arith.addi %mul3A_2, %mul3A_28 : i32
      "tpu.region"() ({
        %run_scoped3A_42 = tpu.sem_alloc : memref<!tpu.dma_semaphore, #tpu.memory_space<semaphore_mem>>
        %dma_start3A_43 = arith.constant 0 : i32
        %dma_start3A_44 = tpu.memref_slice %arg3[%add3A_29, %dma_start3A_43] : memref<10000x128xi32, #tpu.memory_space<hbm>> -> memref<2x128xi32, #tpu.memory_space<hbm>>
        %dma_start3A_45 = arith.constant 0 : i32
        %dma_start3A_46 = tpu.memref_slice %arg3[%add3A_29, %dma_start3A_45] : memref<10000x128xi32, #tpu.memory_space<hbm>> -> memref<2x128xi32, #tpu.memory_space<hbm>>
        tpu.enqueue_dma source(%dma_start3A_46 : memref<2x128xi32, #tpu.memory_space<hbm>>) target(%arg6 : memref<2x128xi32, #tpu.memory_space<vmem>>) target_semaphore(%run_scoped3A_42 : memref<!tpu.dma_semaphore, #tpu.memory_space<semaphore_mem>>)
        %dma_wait3A_47 = arith.constant 0 : i32
        %dma_wait3A_48 = tpu.memref_slice %arg3[%add3A_29, %dma_wait3A_47] : memref<10000x128xi32, #tpu.memory_space<hbm>> -> memref<2x128xi32, #tpu.memory_space<hbm>>
        %dma_wait3A_49 = arith.constant 0 : i32
        %dma_wait3A_50 = tpu.memref_slice %arg3[%add3A_29, %dma_wait3A_49] : memref<10000x128xi32, #tpu.memory_space<hbm>> -> memref<2x128xi32, #tpu.memory_space<hbm>>
        tpu.wait_dma2 semaphore(%run_scoped3A_42 : memref<!tpu.dma_semaphore, #tpu.memory_space<semaphore_mem>>) src(%dma_wait3A_50 : memref<2x128xi32, #tpu.memory_space<hbm>>) dst(%arg6 : memref<2x128xi32, #tpu.memory_space<vmem>>)
        tpu.yield
      }) : () -> ()
      %dma_start3A = arith.constant 0 : i32
      %dma_start3A_30 = arith.constant 0 : i32
      %dma_start3A_31 = tpu.memref_slice %arg6[%dma_start3A, %dma_start3A_30] : memref<2x128xi32, #tpu.memory_space<vmem>> -> memref<1x128xi32, #tpu.memory_space<vmem>>
      %dma_start3A_32 = tpu.memref_squeeze %dma_start3A_31 : memref<1x128xi32, #tpu.memory_space<vmem>> -> memref<128xi32, #tpu.memory_space<vmem>>
      %dma_start3A_33 = arith.constant 0 : i32
      %dma_start3A_34 = arith.constant 0 : i32
      %dma_start3A_35 = tpu.memref_slice %arg2[%dma_start3A_33, %dma_start3A_34] : memref<20480x128xf32, #tpu.memory_space<hbm>> -> memref<20480x128xf32, #tpu.memory_space<hbm>>
      tpu.enqueue_indirect_dma source(%dma_start3A_35 : memref<20480x128xf32, #tpu.memory_space<hbm>>) target(%arg7 : memref<128x128xf32, #tpu.memory_space<vmem>>) offsets(%dma_start3A_32 : memref<128xi32, #tpu.memory_space<vmem>>) semaphore(%arg9 : memref<!tpu.dma_semaphore, #tpu.memory_space<semaphore_mem>>)
      %dma_wait3A = arith.constant 0 : i32
      %dma_wait3A_36 = arith.constant 0 : i32
      %dma_wait3A_37 = tpu.memref_slice %arg6[%dma_wait3A, %dma_wait3A_36] : memref<2x128xi32, #tpu.memory_space<vmem>> -> memref<1x128xi32, #tpu.memory_space<vmem>>
      %dma_wait3A_38 = tpu.memref_squeeze %dma_wait3A_37 : memref<1x128xi32, #tpu.memory_space<vmem>> -> memref<128xi32, #tpu.memory_space<vmem>>
      %dma_wait3A_39 = arith.constant 0 : i32
      %dma_wait3A_40 = arith.constant 0 : i32
      %dma_wait3A_41 = tpu.memref_slice %arg2[%dma_wait3A_39, %dma_wait3A_40] : memref<20480x128xf32, #tpu.memory_space<hbm>> -> memref<20480x128xf32, #tpu.memory_space<hbm>>
      tpu.wait_indirect_dma semaphore(%arg9 : memref<!tpu.dma_semaphore, #tpu.memory_space<semaphore_mem>>) src(%dma_wait3A_41 : memref<20480x128xf32, #tpu.memory_space<hbm>>) dst(%arg7 : memref<128x128xf32, #tpu.memory_space<vmem>>)
      %run_scoped3A = arith.constant 1 : i32
      "tpu.region"() ({
        %run_scoped3A_42 = tpu.sem_alloc : memref<!tpu.dma_semaphore, #tpu.memory_space<semaphore_mem>>
        %dma_start3A_43 = arith.constant 0 : i32
        %dma_start3A_44 = tpu.memref_slice %arg6[%run_scoped3A, %dma_start3A_43] : memref<2x128xi32, #tpu.memory_space<vmem>> -> memref<1x128xi32, #tpu.memory_space<vmem>>
        %dma_start3A_45 = tpu.memref_squeeze %dma_start3A_44 : memref<1x128xi32, #tpu.memory_space<vmem>> -> memref<128xi32, #tpu.memory_space<vmem>>
        %dma_start3A_46 = arith.constant 0 : i32
        %dma_start3A_47 = arith.constant 0 : i32
        %dma_start3A_48 = tpu.memref_slice %arg8[%dma_start3A_46, %dma_start3A_47] : memref<10240x128xf32, #tpu.memory_space<vmem_shared>> -> memref<10240x128xf32, #tpu.memory_space<vmem_shared>>
        tpu.enqueue_indirect_dma source(%arg7 : memref<128x128xf32, #tpu.memory_space<vmem>>) target(%dma_start3A_48 : memref<10240x128xf32, #tpu.memory_space<vmem_shared>>) offsets(%dma_start3A_45 : memref<128xi32, #tpu.memory_space<vmem>>) semaphore(%run_scoped3A_42 : memref<!tpu.dma_semaphore, #tpu.memory_space<semaphore_mem>>) {add = true}
        %dma_wait3A_49 = arith.constant 0 : i32
        %dma_wait3A_50 = tpu.memref_slice %arg6[%run_scoped3A, %dma_wait3A_49] : memref<2x128xi32, #tpu.memory_space<vmem>> -> memref<1x128xi32, #tpu.memory_space<vmem>>
        %dma_wait3A_51 = tpu.memref_squeeze %dma_wait3A_50 : memref<1x128xi32, #tpu.memory_space<vmem>> -> memref<128xi32, #tpu.memory_space<vmem>>
        %dma_wait3A_52 = arith.constant 0 : i32
        %dma_wait3A_53 = arith.constant 0 : i32
        %dma_wait3A_54 = tpu.memref_slice %arg8[%dma_wait3A_52, %dma_wait3A_53] : memref<10240x128xf32, #tpu.memory_space<vmem_shared>> -> memref<10240x128xf32, #tpu.memory_space<vmem_shared>>
        tpu.wait_indirect_dma semaphore(%run_scoped3A_42 : memref<!tpu.dma_semaphore, #tpu.memory_space<semaphore_mem>>) src(%arg7 : memref<128x128xf32, #tpu.memory_space<vmem>>) dst(%dma_wait3A_54 : memref<10240x128xf32, #tpu.memory_space<vmem_shared>>)
        tpu.yield
      }) : () -> ()
    }
    %barrier3A_15 = arith.constant 0 : index
    tpu.barrier barrier_id(%barrier3A_15)
    %mul3A_16 = arith.constant 640 : i32
    %mul3A_17 = arith.muli %arg1, %mul3A_16 : i32
    %mul3A_18 = arith.constant 10240 : i32
    %mul3A_19 = arith.muli %arg0, %mul3A_18 : i32
    %mul3A_20 = arith.constant 640 : i32
    %mul3A_21 = arith.muli %arg1, %mul3A_20 : i32
    %add3A_22 = arith.addi %mul3A_19, %mul3A_21 : i32
    "tpu.region"() ({
      %run_scoped3A = tpu.sem_alloc : memref<!tpu.dma_semaphore, #tpu.memory_space<semaphore_mem>>
      %dma_start3A = arith.constant 0 : i32
      %dma_start3A_23 = tpu.memref_slice %arg5[%add3A_22, %dma_start3A] : memref<20480x128xf32, #tpu.memory_space<hbm>> -> memref<640x128xf32, #tpu.memory_space<hbm>>
      %dma_start3A_24 = arith.constant 0 : i32
      %dma_start3A_25 = tpu.memref_slice %arg8[%mul3A_17, %dma_start3A_24] : memref<10240x128xf32, #tpu.memory_space<vmem_shared>> -> memref<640x128xf32, #tpu.memory_space<vmem_shared>>
      tpu.enqueue_dma source(%dma_start3A_25 : memref<640x128xf32, #tpu.memory_space<vmem_shared>>) target(%dma_start3A_23 : memref<640x128xf32, #tpu.memory_space<hbm>>) target_semaphore(%run_scoped3A : memref<!tpu.dma_semaphore, #tpu.memory_space<semaphore_mem>>)
      %dma_wait3A = arith.constant 0 : i32
      %dma_wait3A_26 = tpu.memref_slice %arg5[%add3A_22, %dma_wait3A] : memref<20480x128xf32, #tpu.memory_space<hbm>> -> memref<640x128xf32, #tpu.memory_space<hbm>>
      %dma_wait3A_27 = arith.constant 0 : i32
      %dma_wait3A_28 = tpu.memref_slice %arg8[%mul3A_17, %dma_wait3A_27] : memref<10240x128xf32, #tpu.memory_space<vmem_shared>> -> memref<640x128xf32, #tpu.memory_space<vmem_shared>>
      tpu.wait_dma2 semaphore(%run_scoped3A : memref<!tpu.dma_semaphore, #tpu.memory_space<semaphore_mem>>) src(%dma_wait3A_28 : memref<640x128xf32, #tpu.memory_space<vmem_shared>>) dst(%dma_wait3A_26 : memref<640x128xf32, #tpu.memory_space<hbm>>)
      tpu.yield
    }) : () -> ()
    return
  }
}

module attributes {stable_mosaic.version = 14 : i64} {
  func.func @_l1_body(%arg0: i32, %arg1: memref<256x128xf32, #tpu.memory_space<vmem>>, %arg2: memref<256x128xf32, #tpu.memory_space<vmem>>, %arg3: memref<256x128xf32, #tpu.memory_space<vmem>>, %arg4: memref<128x256xf32, #tpu.memory_space<vmem>>, %arg5: memref<128x256xf32, #tpu.memory_space<vmem>>, %arg6: memref<1x256xf32, #tpu.memory_space<vmem>>, %arg7: memref<1x256xf32, #tpu.memory_space<vmem>>, %arg8: memref<1x256xf32, #tpu.memory_space<vmem>>, %arg9: memref<1x256xf32, #tpu.memory_space<vmem>>, %arg10: memref<1x256xf32, #tpu.memory_space<vmem>>, %arg11: memref<2x256x128xf32, #tpu.memory_space<vmem>>) attributes {dimension_semantics = [#tpu.dimension_semantics<arbitrary>], iteration_bounds = array<i64: 40>, scalar_prefetch = 0 : i64, scratch_operands = 0 : i64, tpu.core_type = #tpu.core_type<tc>, window_params = [{transform_indices = @transform_0, window_bounds = array<i64: 256, 128>}, {transform_indices = @transform_1, window_bounds = array<i64: 256, 128>}, {transform_indices = @transform_2, window_bounds = array<i64: 256, 128>}, {pipeline_mode = #tpu.pipeline_mode<synchronous>, transform_indices = @transform_3, window_bounds = array<i64: 128, 256>}, {pipeline_mode = #tpu.pipeline_mode<synchronous>, transform_indices = @transform_4, window_bounds = array<i64: 128, 256>}, {pipeline_mode = #tpu.pipeline_mode<synchronous>, transform_indices = @transform_5, window_bounds = array<i64: 1, 256>}, {pipeline_mode = #tpu.pipeline_mode<synchronous>, transform_indices = @transform_6, window_bounds = array<i64: 1, 256>}, {pipeline_mode = #tpu.pipeline_mode<synchronous>, transform_indices = @transform_7, window_bounds = array<i64: 1, 256>}, {pipeline_mode = #tpu.pipeline_mode<synchronous>, transform_indices = @transform_8, window_bounds = array<i64: 1, 256>}, {pipeline_mode = #tpu.pipeline_mode<synchronous>, transform_indices = @transform_9, window_bounds = array<i64: 1, 256>}, {transform_indices = @transform_10, window_bounds = array<i64: 2, 256, 128>}]} {
    %get3A = arith.constant 0 : index
    %get3A_0 = arith.constant 0 : index
    %get3A_1 = vector.load %arg1[%get3A, %get3A_0] : memref<256x128xf32, #tpu.memory_space<vmem>>, vector<256x128xf32>
    %get3A_2 = arith.constant 0 : index
    %get3A_3 = arith.constant 0 : index
    %get3A_4 = vector.load %arg2[%get3A_2, %get3A_3] : memref<256x128xf32, #tpu.memory_space<vmem>>, vector<256x64xf32>
    %get3A_5 = arith.constant 0 : index
    %get3A_6 = arith.constant 0 : index
    %get3A_7 = vector.load %arg3[%get3A_5, %get3A_6] : memref<256x128xf32, #tpu.memory_space<vmem>>, vector<256x64xf32>
    %concatenate3A = tpu.concatenate %get3A_4, %get3A_7 in 1 : vector<256x64xf32>, vector<256x64xf32> -> vector<256x128xf32>
    %get3A_8 = arith.constant 0 : index
    %get3A_9 = arith.constant 64 : index
    %get3A_10 = vector.load %arg2[%get3A_8, %get3A_9] : memref<256x128xf32, #tpu.memory_space<vmem>>, vector<256x1xf32>
    %max3A = arith.constant 1.000000e+00 : f32
    %max3A_11 = vector.broadcast %max3A : f32 to vector<256x1xf32>
    %max3A_12 = arith.maximumf %get3A_10, %max3A_11 : vector<256x1xf32>
    %div3A = arith.constant 1.000000e+00 : f32
    %div3A_13 = vector.broadcast %div3A : f32 to vector<256x1xf32>
    %div3A_14 = arith.divf %div3A_13, %max3A_12 : vector<256x1xf32>
    %mul3A = vector.broadcast %div3A_14 : vector<256x1xf32> to vector<256x128xf32>
    %mul3A_15 = arith.mulf %concatenate3A, %mul3A : vector<256x128xf32>
    %get3A_16 = arith.constant 0 : index
    %get3A_17 = arith.constant 0 : index
    %get3A_18 = vector.load %arg4[%get3A_16, %get3A_17] : memref<128x256xf32, #tpu.memory_space<vmem>>, vector<128x256xf32>
    %dot_general3A = arith.constant dense<0.000000e+00> : vector<256x256xf32>
    %dot_general3A_19 = tpu.matmul %get3A_1, %get3A_18, %dot_general3A {dimension_numbers = #tpu.dot_dimension_numbers<[1], [0], [0], [1], [0, 0, 1, 1], [], []>, transpose_lhs_hint = false} : vector<256x128xf32>, vector<128x256xf32>, vector<256x256xf32> -> vector<256x256xf32>
    %get3A_20 = arith.constant 0 : index
    %get3A_21 = arith.constant 0 : index
    %get3A_22 = vector.load %arg5[%get3A_20, %get3A_21] : memref<128x256xf32, #tpu.memory_space<vmem>>, vector<128x256xf32>
    %dot_general3A_23 = arith.constant dense<0.000000e+00> : vector<256x256xf32>
    %dot_general3A_24 = tpu.matmul %mul3A_15, %get3A_22, %dot_general3A_23 {dimension_numbers = #tpu.dot_dimension_numbers<[1], [0], [0], [1], [0, 0, 1, 1], [], []>, transpose_lhs_hint = false} : vector<256x128xf32>, vector<128x256xf32>, vector<256x256xf32> -> vector<256x256xf32>
    %add3A = arith.addf %dot_general3A_19, %dot_general3A_24 : vector<256x256xf32>
    %get3A_25 = arith.constant 0 : index
    %get3A_26 = arith.constant 0 : index
    %get3A_27 = vector.load %arg6[%get3A_25, %get3A_26] : memref<1x256xf32, #tpu.memory_space<vmem>>, vector<1x256xf32>
    %add3A_28 = vector.broadcast %get3A_27 : vector<1x256xf32> to vector<256x256xf32>
    %add3A_29 = arith.addf %add3A, %add3A_28 : vector<256x256xf32>
    %get3A_30 = arith.constant 0 : index
    %get3A_31 = arith.constant 0 : index
    %get3A_32 = vector.load %arg7[%get3A_30, %get3A_31] : memref<1x256xf32, #tpu.memory_space<vmem>>, vector<1x256xf32>
    %get3A_33 = arith.constant 0 : index
    %get3A_34 = arith.constant 0 : index
    %get3A_35 = vector.load %arg8[%get3A_33, %get3A_34] : memref<1x256xf32, #tpu.memory_space<vmem>>, vector<1x256xf32>
    %get3A_36 = arith.constant 0 : index
    %get3A_37 = arith.constant 0 : index
    %get3A_38 = vector.load %arg9[%get3A_36, %get3A_37] : memref<1x256xf32, #tpu.memory_space<vmem>>, vector<1x256xf32>
    %get3A_39 = arith.constant 0 : index
    %get3A_40 = arith.constant 0 : index
    %get3A_41 = vector.load %arg10[%get3A_39, %get3A_40] : memref<1x256xf32, #tpu.memory_space<vmem>>, vector<1x256xf32>
    %add3A_42 = arith.constant 9.99999974E-6 : f32
    %add3A_43 = vector.broadcast %add3A_42 : f32 to vector<1x256xf32>
    %add3A_44 = arith.addf %get3A_41, %add3A_43 : vector<1x256xf32>
    %rsqrt3A = math.rsqrt %add3A_44 : vector<1x256xf32>
    %mul3A_45 = arith.mulf %get3A_32, %rsqrt3A : vector<1x256xf32>
    %sub3A = vector.broadcast %get3A_38 : vector<1x256xf32> to vector<256x256xf32>
    %sub3A_46 = arith.subf %add3A_29, %sub3A : vector<256x256xf32>
    %mul3A_47 = vector.broadcast %mul3A_45 : vector<1x256xf32> to vector<256x256xf32>
    %mul3A_48 = arith.mulf %sub3A_46, %mul3A_47 : vector<256x256xf32>
    %add3A_49 = vector.broadcast %get3A_35 : vector<1x256xf32> to vector<256x256xf32>
    %add3A_50 = arith.addf %mul3A_48, %add3A_49 : vector<256x256xf32>
    %ge3A = arith.constant 0.000000e+00 : f32
    %ge3A_51 = vector.broadcast %ge3A : f32 to vector<256x256xf32>
    %ge3A_52 = arith.cmpf oge, %add3A_50, %ge3A_51 : vector<256x256xf32>
    %mul3A_53 = arith.constant 0.00999999977 : f32
    %mul3A_54 = vector.broadcast %mul3A_53 : f32 to vector<256x256xf32>
    %mul3A_55 = arith.mulf %mul3A_54, %add3A_50 : vector<256x256xf32>
    %select_n3A = arith.select %ge3A_52, %add3A_50, %mul3A_55 : vector<256x256xi1>, vector<256x256xf32>
    %slice3A = vector.extract_strided_slice %select_n3A {offsets = [0, 0], sizes = [256, 128], strides = [1, 1]} : vector<256x256xf32> to vector<256x128xf32>
    %swap3A = arith.constant 0 : index
    %swap3A_56 = arith.constant 0 : index
    %swap3A_57 = arith.constant 0 : index
    %swap3A_58 = vector.load %arg11[%swap3A, %swap3A_56, %swap3A_57] : memref<2x256x128xf32, #tpu.memory_space<vmem>>, vector<1x256x128xf32>
    %swap3A_59 = vector.shape_cast %swap3A_58 : vector<1x256x128xf32> to vector<256x128xf32>
    %swap3A_60 = vector.shape_cast %slice3A : vector<256x128xf32> to vector<1x256x128xf32>
    tpu.vector_store %arg11[%swap3A, %swap3A_56, %swap3A_57], %swap3A_60 {strides = array<i32>} : memref<2x256x128xf32, #tpu.memory_space<vmem>>, vector<1x256x128xf32>,
    %slice3A_61 = vector.extract_strided_slice %select_n3A {offsets = [0, 128], sizes = [256, 128], strides = [1, 1]} : vector<256x256xf32> to vector<256x128xf32>
    %swap3A_62 = arith.constant 1 : index
    %swap3A_63 = arith.constant 0 : index
    %swap3A_64 = arith.constant 0 : index
    %swap3A_65 = vector.load %arg11[%swap3A_62, %swap3A_63, %swap3A_64] : memref<2x256x128xf32, #tpu.memory_space<vmem>>, vector<1x256x128xf32>
    %swap3A_66 = vector.shape_cast %swap3A_65 : vector<1x256x128xf32> to vector<256x128xf32>
    %swap3A_67 = vector.shape_cast %slice3A_61 : vector<256x128xf32> to vector<1x256x128xf32>
    tpu.vector_store %arg11[%swap3A_62, %swap3A_63, %swap3A_64], %swap3A_67 {strides = array<i32>} : memref<2x256x128xf32, #tpu.memory_space<vmem>>, vector<1x256x128xf32>,
    return
  }
  func.func @transform_0(%arg0: i32) -> (i32, i32) {
    %c0_i32 = arith.constant 0 : i32
    %c0_i32_0 = arith.constant 0 : i32
    return %arg0, %c0_i32 : i32, i32
  }
  func.func @transform_1(%arg0: i32) -> (i32, i32) {
    %c0_i32 = arith.constant 0 : i32
    %c0_i32_0 = arith.constant 0 : i32
    return %arg0, %c0_i32 : i32, i32
  }
  func.func @transform_2(%arg0: i32) -> (i32, i32) {
    %add3A = arith.constant 40 : i32
    %add3A_0 = arith.addi %add3A, %arg0 : i32
    %c0_i32 = arith.constant 0 : i32
    %c0_i32_1 = arith.constant 0 : i32
    return %add3A_0, %c0_i32 : i32, i32
  }
  func.func @transform_3(%arg0: i32) -> (i32, i32) {
    %c0_i32 = arith.constant 0 : i32
    %c0_i32_0 = arith.constant 0 : i32
    %c0_i32_1 = arith.constant 0 : i32
    return %c0_i32, %c0_i32_0 : i32, i32
  }
  func.func @transform_4(%arg0: i32) -> (i32, i32) {
    %c0_i32 = arith.constant 0 : i32
    %c0_i32_0 = arith.constant 0 : i32
    %c0_i32_1 = arith.constant 0 : i32
    return %c0_i32, %c0_i32_0 : i32, i32
  }
  func.func @transform_5(%arg0: i32) -> (i32, i32) {
    %c0_i32 = arith.constant 0 : i32
    %c0_i32_0 = arith.constant 0 : i32
    %c0_i32_1 = arith.constant 0 : i32
    return %c0_i32, %c0_i32_0 : i32, i32
  }
  func.func @transform_6(%arg0: i32) -> (i32, i32) {
    %c0_i32 = arith.constant 0 : i32
    %c0_i32_0 = arith.constant 0 : i32
    %c0_i32_1 = arith.constant 0 : i32
    return %c0_i32, %c0_i32_0 : i32, i32
  }
  func.func @transform_7(%arg0: i32) -> (i32, i32) {
    %c0_i32 = arith.constant 0 : i32
    %c0_i32_0 = arith.constant 0 : i32
    %c0_i32_1 = arith.constant 0 : i32
    return %c0_i32, %c0_i32_0 : i32, i32
  }
  func.func @transform_8(%arg0: i32) -> (i32, i32) {
    %c0_i32 = arith.constant 0 : i32
    %c0_i32_0 = arith.constant 0 : i32
    %c0_i32_1 = arith.constant 0 : i32
    return %c0_i32, %c0_i32_0 : i32, i32
  }
  func.func @transform_9(%arg0: i32) -> (i32, i32) {
    %c0_i32 = arith.constant 0 : i32
    %c0_i32_0 = arith.constant 0 : i32
    %c0_i32_1 = arith.constant 0 : i32
    return %c0_i32, %c0_i32_0 : i32, i32
  }
  func.func @transform_10(%arg0: i32) -> (i32, i32, i32) {
    %c0_i32 = arith.constant 0 : i32
    %c0_i32_0 = arith.constant 0 : i32
    %c0_i32_1 = arith.constant 0 : i32
    return %c0_i32, %arg0, %c0_i32_0 : i32, i32, i32
  }
}

module attributes {stable_mosaic.version = 14 : i64} {
  func.func @_l23_body(%arg0: i32, %arg1: memref<256x128xf32, #tpu.memory_space<vmem>>, %arg2: memref<256x128xf32, #tpu.memory_space<vmem>>, %arg3: memref<256x128xf32, #tpu.memory_space<vmem>>, %arg4: memref<256x128xf32, #tpu.memory_space<vmem>>, %arg5: memref<256x128xf32, #tpu.memory_space<vmem>>, %arg6: memref<256x256xf32, #tpu.memory_space<vmem>>, %arg7: memref<256x256xf32, #tpu.memory_space<vmem>>, %arg8: memref<1x256xf32, #tpu.memory_space<vmem>>, %arg9: memref<1x256xf32, #tpu.memory_space<vmem>>, %arg10: memref<1x256xf32, #tpu.memory_space<vmem>>, %arg11: memref<1x256xf32, #tpu.memory_space<vmem>>, %arg12: memref<1x256xf32, #tpu.memory_space<vmem>>, %arg13: memref<2x256x128xf32, #tpu.memory_space<vmem>>) attributes {dimension_semantics = [#tpu.dimension_semantics<arbitrary>], iteration_bounds = array<i64: 40>, scalar_prefetch = 0 : i64, scratch_operands = 0 : i64, tpu.core_type = #tpu.core_type<tc>, window_params = [{transform_indices = @transform_0, window_bounds = array<i64: 256, 128>}, {transform_indices = @transform_1, window_bounds = array<i64: 256, 128>}, {transform_indices = @transform_2, window_bounds = array<i64: 256, 128>}, {transform_indices = @transform_3, window_bounds = array<i64: 256, 128>}, {transform_indices = @transform_4, window_bounds = array<i64: 256, 128>}, {pipeline_mode = #tpu.pipeline_mode<synchronous>, transform_indices = @transform_5, window_bounds = array<i64: 256, 256>}, {pipeline_mode = #tpu.pipeline_mode<synchronous>, transform_indices = @transform_6, window_bounds = array<i64: 256, 256>}, {pipeline_mode = #tpu.pipeline_mode<synchronous>, transform_indices = @transform_7, window_bounds = array<i64: 1, 256>}, {pipeline_mode = #tpu.pipeline_mode<synchronous>, transform_indices = @transform_8, window_bounds = array<i64: 1, 256>}, {pipeline_mode = #tpu.pipeline_mode<synchronous>, transform_indices = @transform_9, window_bounds = array<i64: 1, 256>}, {pipeline_mode = #tpu.pipeline_mode<synchronous>, transform_indices = @transform_10, window_bounds = array<i64: 1, 256>}, {pipeline_mode = #tpu.pipeline_mode<synchronous>, transform_indices = @transform_11, window_bounds = array<i64: 1, 256>}, {transform_indices = @transform_12, window_bounds = array<i64: 2, 256, 128>}]} {
    %get3A = arith.constant 0 : index
    %get3A_0 = arith.constant 0 : index
    %get3A_1 = vector.load %arg1[%get3A, %get3A_0] : memref<256x128xf32, #tpu.memory_space<vmem>>, vector<256x128xf32>
    %get3A_2 = arith.constant 0 : index
    %get3A_3 = arith.constant 0 : index
    %get3A_4 = vector.load %arg2[%get3A_2, %get3A_3] : memref<256x128xf32, #tpu.memory_space<vmem>>, vector<256x128xf32>
    %concatenate3A = tpu.concatenate %get3A_1, %get3A_4 in 1 : vector<256x128xf32>, vector<256x128xf32> -> vector<256x256xf32>
    %get3A_5 = arith.constant 0 : index
    %get3A_6 = arith.constant 0 : index
    %get3A_7 = vector.load %arg3[%get3A_5, %get3A_6] : memref<256x128xf32, #tpu.memory_space<vmem>>, vector<256x128xf32>
    %get3A_8 = arith.constant 0 : index
    %get3A_9 = arith.constant 0 : index
    %get3A_10 = vector.load %arg4[%get3A_8, %get3A_9] : memref<256x128xf32, #tpu.memory_space<vmem>>, vector<256x128xf32>
    %concatenate3A_11 = tpu.concatenate %get3A_7, %get3A_10 in 1 : vector<256x128xf32>, vector<256x128xf32> -> vector<256x256xf32>
    %get3A_12 = arith.constant 0 : index
    %get3A_13 = arith.constant 64 : index
    %get3A_14 = vector.load %arg5[%get3A_12, %get3A_13] : memref<256x128xf32, #tpu.memory_space<vmem>>, vector<256x1xf32>
    %max3A = arith.constant 1.000000e+00 : f32
    %max3A_15 = vector.broadcast %max3A : f32 to vector<256x1xf32>
    %max3A_16 = arith.maximumf %get3A_14, %max3A_15 : vector<256x1xf32>
    %div3A = arith.constant 1.000000e+00 : f32
    %div3A_17 = vector.broadcast %div3A : f32 to vector<256x1xf32>
    %div3A_18 = arith.divf %div3A_17, %max3A_16 : vector<256x1xf32>
    %mul3A = vector.broadcast %div3A_18 : vector<256x1xf32> to vector<256x256xf32>
    %mul3A_19 = arith.mulf %concatenate3A_11, %mul3A : vector<256x256xf32>
    %get3A_20 = arith.constant 0 : index
    %get3A_21 = arith.constant 0 : index
    %get3A_22 = vector.load %arg6[%get3A_20, %get3A_21] : memref<256x256xf32, #tpu.memory_space<vmem>>, vector<256x256xf32>
    %dot_general3A = arith.constant dense<0.000000e+00> : vector<256x256xf32>
    %dot_general3A_23 = tpu.matmul %concatenate3A, %get3A_22, %dot_general3A {dimension_numbers = #tpu.dot_dimension_numbers<[1], [0], [0], [1], [0, 0, 1, 1], [], []>, transpose_lhs_hint = false} : vector<256x256xf32>, vector<256x256xf32>, vector<256x256xf32> -> vector<256x256xf32>
    %get3A_24 = arith.constant 0 : index
    %get3A_25 = arith.constant 0 : index
    %get3A_26 = vector.load %arg7[%get3A_24, %get3A_25] : memref<256x256xf32, #tpu.memory_space<vmem>>, vector<256x256xf32>
    %dot_general3A_27 = arith.constant dense<0.000000e+00> : vector<256x256xf32>
    %dot_general3A_28 = tpu.matmul %mul3A_19, %get3A_26, %dot_general3A_27 {dimension_numbers = #tpu.dot_dimension_numbers<[1], [0], [0], [1], [0, 0, 1, 1], [], []>, transpose_lhs_hint = false} : vector<256x256xf32>, vector<256x256xf32>, vector<256x256xf32> -> vector<256x256xf32>
    %add3A = arith.addf %dot_general3A_23, %dot_general3A_28 : vector<256x256xf32>
    %get3A_29 = arith.constant 0 : index
    %get3A_30 = arith.constant 0 : index
    %get3A_31 = vector.load %arg8[%get3A_29, %get3A_30] : memref<1x256xf32, #tpu.memory_space<vmem>>, vector<1x256xf32>
    %add3A_32 = vector.broadcast %get3A_31 : vector<1x256xf32> to vector<256x256xf32>
    %add3A_33 = arith.addf %add3A, %add3A_32 : vector<256x256xf32>
    %get3A_34 = arith.constant 0 : index
    %get3A_35 = arith.constant 0 : index
    %get3A_36 = vector.load %arg9[%get3A_34, %get3A_35] : memref<1x256xf32, #tpu.memory_space<vmem>>, vector<1x256xf32>
    %get3A_37 = arith.constant 0 : index
    %get3A_38 = arith.constant 0 : index
    %get3A_39 = vector.load %arg10[%get3A_37, %get3A_38] : memref<1x256xf32, #tpu.memory_space<vmem>>, vector<1x256xf32>
    %get3A_40 = arith.constant 0 : index
    %get3A_41 = arith.constant 0 : index
    %get3A_42 = vector.load %arg11[%get3A_40, %get3A_41] : memref<1x256xf32, #tpu.memory_space<vmem>>, vector<1x256xf32>
    %get3A_43 = arith.constant 0 : index
    %get3A_44 = arith.constant 0 : index
    %get3A_45 = vector.load %arg12[%get3A_43, %get3A_44] : memref<1x256xf32, #tpu.memory_space<vmem>>, vector<1x256xf32>
    %add3A_46 = arith.constant 9.99999974E-6 : f32
    %add3A_47 = vector.broadcast %add3A_46 : f32 to vector<1x256xf32>
    %add3A_48 = arith.addf %get3A_45, %add3A_47 : vector<1x256xf32>
    %rsqrt3A = math.rsqrt %add3A_48 : vector<1x256xf32>
    %mul3A_49 = arith.mulf %get3A_36, %rsqrt3A : vector<1x256xf32>
    %sub3A = vector.broadcast %get3A_42 : vector<1x256xf32> to vector<256x256xf32>
    %sub3A_50 = arith.subf %add3A_33, %sub3A : vector<256x256xf32>
    %mul3A_51 = vector.broadcast %mul3A_49 : vector<1x256xf32> to vector<256x256xf32>
    %mul3A_52 = arith.mulf %sub3A_50, %mul3A_51 : vector<256x256xf32>
    %add3A_53 = vector.broadcast %get3A_39 : vector<1x256xf32> to vector<256x256xf32>
    %add3A_54 = arith.addf %mul3A_52, %add3A_53 : vector<256x256xf32>
    %ge3A = arith.constant 0.000000e+00 : f32
    %ge3A_55 = vector.broadcast %ge3A : f32 to vector<256x256xf32>
    %ge3A_56 = arith.cmpf oge, %add3A_54, %ge3A_55 : vector<256x256xf32>
    %mul3A_57 = arith.constant 0.00999999977 : f32
    %mul3A_58 = vector.broadcast %mul3A_57 : f32 to vector<256x256xf32>
    %mul3A_59 = arith.mulf %mul3A_58, %add3A_54 : vector<256x256xf32>
    %select_n3A = arith.select %ge3A_56, %add3A_54, %mul3A_59 : vector<256x256xi1>, vector<256x256xf32>
    %slice3A = vector.extract_strided_slice %select_n3A {offsets = [0, 0], sizes = [256, 128], strides = [1, 1]} : vector<256x256xf32> to vector<256x128xf32>
    %swap3A = arith.constant 0 : index
    %swap3A_60 = arith.constant 0 : index
    %swap3A_61 = arith.constant 0 : index
    %swap3A_62 = vector.load %arg13[%swap3A, %swap3A_60, %swap3A_61] : memref<2x256x128xf32, #tpu.memory_space<vmem>>, vector<1x256x128xf32>
    %swap3A_63 = vector.shape_cast %swap3A_62 : vector<1x256x128xf32> to vector<256x128xf32>
    %swap3A_64 = vector.shape_cast %slice3A : vector<256x128xf32> to vector<1x256x128xf32>
    tpu.vector_store %arg13[%swap3A, %swap3A_60, %swap3A_61], %swap3A_64 {strides = array<i32>} : memref<2x256x128xf32, #tpu.memory_space<vmem>>, vector<1x256x128xf32>,
    %slice3A_65 = vector.extract_strided_slice %select_n3A {offsets = [0, 128], sizes = [256, 128], strides = [1, 1]} : vector<256x256xf32> to vector<256x128xf32>
    %swap3A_66 = arith.constant 1 : index
    %swap3A_67 = arith.constant 0 : index
    %swap3A_68 = arith.constant 0 : index
    %swap3A_69 = vector.load %arg13[%swap3A_66, %swap3A_67, %swap3A_68] : memref<2x256x128xf32, #tpu.memory_space<vmem>>, vector<1x256x128xf32>
    %swap3A_70 = vector.shape_cast %swap3A_69 : vector<1x256x128xf32> to vector<256x128xf32>
    %swap3A_71 = vector.shape_cast %slice3A_65 : vector<256x128xf32> to vector<1x256x128xf32>
    tpu.vector_store %arg13[%swap3A_66, %swap3A_67, %swap3A_68], %swap3A_71 {strides = array<i32>} : memref<2x256x128xf32, #tpu.memory_space<vmem>>, vector<1x256x128xf32>,
    return
  }
  func.func @transform_0(%arg0: i32) -> (i32, i32) {
    %c0_i32 = arith.constant 0 : i32
    %c0_i32_0 = arith.constant 0 : i32
    return %arg0, %c0_i32 : i32, i32
  }
  func.func @transform_1(%arg0: i32) -> (i32, i32) {
    %add3A = arith.constant 40 : i32
    %add3A_0 = arith.addi %add3A, %arg0 : i32
    %c0_i32 = arith.constant 0 : i32
    %c0_i32_1 = arith.constant 0 : i32
    return %add3A_0, %c0_i32 : i32, i32
  }
  func.func @transform_2(%arg0: i32) -> (i32, i32) {
    %c0_i32 = arith.constant 0 : i32
    %c0_i32_0 = arith.constant 0 : i32
    return %arg0, %c0_i32 : i32, i32
  }
  func.func @transform_3(%arg0: i32) -> (i32, i32) {
    %add3A = arith.constant 40 : i32
    %add3A_0 = arith.addi %add3A, %arg0 : i32
    %c0_i32 = arith.constant 0 : i32
    %c0_i32_1 = arith.constant 0 : i32
    return %add3A_0, %c0_i32 : i32, i32
  }
  func.func @transform_4(%arg0: i32) -> (i32, i32) {
    %c0_i32 = arith.constant 0 : i32
    %c0_i32_0 = arith.constant 0 : i32
    return %arg0, %c0_i32 : i32, i32
  }
  func.func @transform_5(%arg0: i32) -> (i32, i32) {
    %c0_i32 = arith.constant 0 : i32
    %c0_i32_0 = arith.constant 0 : i32
    %c0_i32_1 = arith.constant 0 : i32
    return %c0_i32, %c0_i32_0 : i32, i32
  }
  func.func @transform_6(%arg0: i32) -> (i32, i32) {
    %c0_i32 = arith.constant 0 : i32
    %c0_i32_0 = arith.constant 0 : i32
    %c0_i32_1 = arith.constant 0 : i32
    return %c0_i32, %c0_i32_0 : i32, i32
  }
  func.func @transform_7(%arg0: i32) -> (i32, i32) {
    %c0_i32 = arith.constant 0 : i32
    %c0_i32_0 = arith.constant 0 : i32
    %c0_i32_1 = arith.constant 0 : i32
    return %c0_i32, %c0_i32_0 : i32, i32
  }
  func.func @transform_8(%arg0: i32) -> (i32, i32) {
    %c0_i32 = arith.constant 0 : i32
    %c0_i32_0 = arith.constant 0 : i32
    %c0_i32_1 = arith.constant 0 : i32
    return %c0_i32, %c0_i32_0 : i32, i32
  }
  func.func @transform_9(%arg0: i32) -> (i32, i32) {
    %c0_i32 = arith.constant 0 : i32
    %c0_i32_0 = arith.constant 0 : i32
    %c0_i32_1 = arith.constant 0 : i32
    return %c0_i32, %c0_i32_0 : i32, i32
  }
  func.func @transform_10(%arg0: i32) -> (i32, i32) {
    %c0_i32 = arith.constant 0 : i32
    %c0_i32_0 = arith.constant 0 : i32
    %c0_i32_1 = arith.constant 0 : i32
    return %c0_i32, %c0_i32_0 : i32, i32
  }
  func.func @transform_11(%arg0: i32) -> (i32, i32) {
    %c0_i32 = arith.constant 0 : i32
    %c0_i32_0 = arith.constant 0 : i32
    %c0_i32_1 = arith.constant 0 : i32
    return %c0_i32, %c0_i32_0 : i32, i32
  }
  func.func @transform_12(%arg0: i32) -> (i32, i32, i32) {
    %c0_i32 = arith.constant 0 : i32
    %c0_i32_0 = arith.constant 0 : i32
    %c0_i32_1 = arith.constant 0 : i32
    return %c0_i32, %arg0, %c0_i32_0 : i32, i32, i32
  }
}

module attributes {stable_mosaic.version = 14 : i64} {
  func.func @_final_body(%arg0: i32, %arg1: memref<256x128xf32, #tpu.memory_space<vmem>>, %arg2: memref<256x128xf32, #tpu.memory_space<vmem>>, %arg3: memref<256x256xf32, #tpu.memory_space<vmem>>, %arg4: memref<1x256xf32, #tpu.memory_space<vmem>>, %arg5: memref<256x1024xf32, #tpu.memory_space<vmem>>, %arg6: memref<1x1024xf32, #tpu.memory_space<vmem>>, %arg7: memref<1024x128xf32, #tpu.memory_space<vmem>>, %arg8: memref<1x128xf32, #tpu.memory_space<vmem>>, %arg9: memref<1x128xf32, #tpu.memory_space<vmem>>, %arg10: memref<1x256xf32, #tpu.memory_space<vmem>>) attributes {dimension_semantics = [#tpu.dimension_semantics<arbitrary>], iteration_bounds = array<i64: 40>, scalar_prefetch = 0 : i64, scratch_operands = 1 : i64, tpu.core_type = #tpu.core_type<tc>, window_params = [{transform_indices = @transform_0, window_bounds = array<i64: 256, 128>}, {transform_indices = @transform_1, window_bounds = array<i64: 256, 128>}, {pipeline_mode = #tpu.pipeline_mode<synchronous>, transform_indices = @transform_2, window_bounds = array<i64: 256, 256>}, {pipeline_mode = #tpu.pipeline_mode<synchronous>, transform_indices = @transform_3, window_bounds = array<i64: 1, 256>}, {pipeline_mode = #tpu.pipeline_mode<synchronous>, transform_indices = @transform_4, window_bounds = array<i64: 256, 1024>}, {pipeline_mode = #tpu.pipeline_mode<synchronous>, transform_indices = @transform_5, window_bounds = array<i64: 1, 1024>}, {pipeline_mode = #tpu.pipeline_mode<synchronous>, transform_indices = @transform_6, window_bounds = array<i64: 1024, 128>}, {pipeline_mode = #tpu.pipeline_mode<synchronous>, transform_indices = @transform_7, window_bounds = array<i64: 1, 128>}, {pipeline_mode = #tpu.pipeline_mode<synchronous>, transform_indices = @transform_8, window_bounds = array<i64: 1, 128>}]} {
    %get3A = arith.constant 0 : index
    %get3A_0 = arith.constant 0 : index
    %get3A_1 = vector.load %arg1[%get3A, %get3A_0] : memref<256x128xf32, #tpu.memory_space<vmem>>, vector<256x128xf32>
    %get3A_2 = arith.constant 0 : index
    %get3A_3 = arith.constant 0 : index
    %get3A_4 = vector.load %arg2[%get3A_2, %get3A_3] : memref<256x128xf32, #tpu.memory_space<vmem>>, vector<256x128xf32>
    %concatenate3A = tpu.concatenate %get3A_1, %get3A_4 in 1 : vector<256x128xf32>, vector<256x128xf32> -> vector<256x256xf32>
    %mul3A = arith.constant 256 : i32
    %mul3A_5 = arith.muli %arg0, %mul3A : i32
    %iota3A = tpu.iota {dimensions = array<i32: 0>} : vector<256x1xi32>
    %add3A = vector.broadcast %mul3A_5 : i32 to vector<256x1xi32>
    %add3A_6 = arith.addi %add3A, %iota3A : vector<256x1xi32>
    %lt3A = arith.constant 10000 : i32
    %lt3A_7 = vector.broadcast %lt3A : i32 to vector<256x1xi32>
    %lt3A_8 = arith.cmpi slt, %add3A_6, %lt3A_7 : vector<256x1xi32>
    %jit3A = arith.constant 0.000000e+00 : f32
    %broadcast_in_dim3A = vector.shape_cast %lt3A_8 : vector<256x1xi1> to vector<256x1xi1>
    %broadcast_in_dim3A_9 = vector.broadcast %broadcast_in_dim3A : vector<256x1xi1> to vector<256x256xi1>
    %broadcast_in_dim3A_10 = vector.broadcast %jit3A : f32 to vector<256x256xf32>
    %select_n3A = arith.select %broadcast_in_dim3A_9, %concatenate3A, %broadcast_in_dim3A_10 : vector<256x256xi1>, vector<256x256xf32>
    %eq3A = arith.constant 0 : i32
    %eq3A_11 = arith.cmpi eq, %arg0, %eq3A : i32
    %convert_element_type3A = arith.extui %eq3A_11 : i1 to i32
    %cond3A = arith.constant 0 : i32
    %cond3A_12 = arith.cmpi ne, %convert_element_type3A, %cond3A : i32
    scf.if %cond3A_12 {
      %broadcast_in_dim3A_26 = arith.constant 0.000000e+00 : f32
      %broadcast_in_dim3A_27 = vector.broadcast %broadcast_in_dim3A_26 : f32 to vector<1x256xf32>
      %swap3A_28 = arith.constant 0 : index
      %swap3A_29 = arith.constant 0 : index
      %swap3A_30 = vector.load %arg10[%swap3A_28, %swap3A_29] : memref<1x256xf32, #tpu.memory_space<vmem>>, vector<1x256xf32>
      tpu.vector_store %arg10[%swap3A_28, %swap3A_29], %broadcast_in_dim3A_27 {strides = array<i32>} : memref<1x256xf32, #tpu.memory_space<vmem>>, vector<1x256xf32>,
    } else {
    }
    %get3A_13 = arith.constant 0 : index
    %get3A_14 = arith.constant 0 : index
    %get3A_15 = vector.load %arg10[%get3A_13, %get3A_14] : memref<1x256xf32, #tpu.memory_space<vmem>>, vector<1x256xf32>
    %reduce_sum3A = arith.constant dense<0.000000e+00> : vector<256xf32>
    %reduce_sum3A_16 = vector.multi_reduction <add>, %select_n3A, %reduce_sum3A [0] : vector<256x256xf32> to vector<256xf32>
    %broadcast_in_dim3A_17 = vector.shape_cast %reduce_sum3A_16 : vector<256xf32> to vector<1x256xf32>
    %add3A_18 = arith.addf %get3A_15, %broadcast_in_dim3A_17 : vector<1x256xf32>
    %swap3A = arith.constant 0 : index
    %swap3A_19 = arith.constant 0 : index
    %swap3A_20 = vector.load %arg10[%swap3A, %swap3A_19] : memref<1x256xf32, #tpu.memory_space<vmem>>, vector<1x256xf32>
    tpu.vector_store %arg10[%swap3A, %swap3A_19], %add3A_18 {strides = array<i32>} : memref<1x256xf32, #tpu.memory_space<vmem>>, vector<1x256xf32>,
    %eq3A_21 = arith.constant 39 : i32
    %eq3A_22 = arith.cmpi eq, %arg0, %eq3A_21 : i32
    %convert_element_type3A_23 = arith.extui %eq3A_22 : i1 to i32
    %cond3A_24 = arith.constant 0 : i32
    %cond3A_25 = arith.cmpi ne, %convert_element_type3A_23, %cond3A_24 : i32
    scf.if %cond3A_25 {
      %get3A_26 = arith.constant 0 : index
      %get3A_27 = arith.constant 0 : index
      %get3A_28 = vector.load %arg10[%get3A_26, %get3A_27] : memref<1x256xf32, #tpu.memory_space<vmem>>, vector<1x256xf32>
      %mul3A_29 = arith.constant 9.99999974E-5 : f32
      %mul3A_30 = vector.broadcast %mul3A_29 : f32 to vector<1x256xf32>
      %mul3A_31 = arith.mulf %get3A_28, %mul3A_30 : vector<1x256xf32>
      %get3A_32 = arith.constant 0 : index
      %get3A_33 = arith.constant 0 : index
      %get3A_34 = vector.load %arg3[%get3A_32, %get3A_33] : memref<256x256xf32, #tpu.memory_space<vmem>>, vector<256x256xf32>
      %dot_general3A = arith.constant dense<0.000000e+00> : vector<1x256xf32>
      %dot_general3A_35 = tpu.matmul %mul3A_31, %get3A_34, %dot_general3A {dimension_numbers = #tpu.dot_dimension_numbers<[1], [0], [0], [1], [0, 0, 1, 1], [], []>, transpose_lhs_hint = false} : vector<1x256xf32>, vector<256x256xf32>, vector<1x256xf32> -> vector<1x256xf32>
      %get3A_36 = arith.constant 0 : index
      %get3A_37 = arith.constant 0 : index
      %get3A_38 = vector.load %arg4[%get3A_36, %get3A_37] : memref<1x256xf32, #tpu.memory_space<vmem>>, vector<1x256xf32>
      %add3A_39 = arith.addf %dot_general3A_35, %get3A_38 : vector<1x256xf32>
      %ge3A = arith.constant 0.000000e+00 : f32
      %ge3A_40 = vector.broadcast %ge3A : f32 to vector<1x256xf32>
      %ge3A_41 = arith.cmpf oge, %add3A_39, %ge3A_40 : vector<1x256xf32>
      %mul3A_42 = arith.constant 0.00999999977 : f32
      %mul3A_43 = vector.broadcast %mul3A_42 : f32 to vector<1x256xf32>
      %mul3A_44 = arith.mulf %mul3A_43, %add3A_39 : vector<1x256xf32>
      %select_n3A_45 = arith.select %ge3A_41, %add3A_39, %mul3A_44 : vector<1x256xi1>, vector<1x256xf32>
      %get3A_46 = arith.constant 0 : index
      %get3A_47 = arith.constant 0 : index
      %get3A_48 = vector.load %arg5[%get3A_46, %get3A_47] : memref<256x1024xf32, #tpu.memory_space<vmem>>, vector<256x1024xf32>
      %dot_general3A_49 = arith.constant dense<0.000000e+00> : vector<1x1024xf32>
      %dot_general3A_50 = tpu.matmul %select_n3A_45, %get3A_48, %dot_general3A_49 {dimension_numbers = #tpu.dot_dimension_numbers<[1], [0], [0], [1], [0, 0, 1, 1], [], []>, transpose_lhs_hint = false} : vector<1x256xf32>, vector<256x1024xf32>, vector<1x1024xf32> -> vector<1x1024xf32>
      %get3A_51 = arith.constant 0 : index
      %get3A_52 = arith.constant 0 : index
      %get3A_53 = vector.load %arg6[%get3A_51, %get3A_52] : memref<1x1024xf32, #tpu.memory_space<vmem>>, vector<1x1024xf32>
      %add3A_54 = arith.addf %dot_general3A_50, %get3A_53 : vector<1x1024xf32>
      %ge3A_55 = arith.constant 0.000000e+00 : f32
      %ge3A_56 = vector.broadcast %ge3A_55 : f32 to vector<1x1024xf32>
      %ge3A_57 = arith.cmpf oge, %add3A_54, %ge3A_56 : vector<1x1024xf32>
      %mul3A_58 = arith.constant 0.00999999977 : f32
      %mul3A_59 = vector.broadcast %mul3A_58 : f32 to vector<1x1024xf32>
      %mul3A_60 = arith.mulf %mul3A_59, %add3A_54 : vector<1x1024xf32>
      %select_n3A_61 = arith.select %ge3A_57, %add3A_54, %mul3A_60 : vector<1x1024xi1>, vector<1x1024xf32>
      %get3A_62 = arith.constant 0 : index
      %get3A_63 = arith.constant 0 : index
      %get3A_64 = vector.load %arg7[%get3A_62, %get3A_63] : memref<1024x128xf32, #tpu.memory_space<vmem>>, vector<1024x128xf32>
      %dot_general3A_65 = arith.constant dense<0.000000e+00> : vector<1x128xf32>
      %dot_general3A_66 = tpu.matmul %select_n3A_61, %get3A_64, %dot_general3A_65 {dimension_numbers = #tpu.dot_dimension_numbers<[1], [0], [0], [1], [0, 0, 1, 1], [], []>, transpose_lhs_hint = false} : vector<1x1024xf32>, vector<1024x128xf32>, vector<1x128xf32> -> vector<1x128xf32>
      %get3A_67 = arith.constant 0 : index
      %get3A_68 = arith.constant 0 : index
      %get3A_69 = vector.load %arg8[%get3A_67, %get3A_68] : memref<1x128xf32, #tpu.memory_space<vmem>>, vector<1x128xf32>
      %add3A_70 = arith.addf %dot_general3A_66, %get3A_69 : vector<1x128xf32>
      %swap3A_71 = arith.constant 0 : index
      %swap3A_72 = arith.constant 0 : index
      %swap3A_73 = vector.load %arg9[%swap3A_71, %swap3A_72] : memref<1x128xf32, #tpu.memory_space<vmem>>, vector<1x128xf32>
      tpu.vector_store %arg9[%swap3A_71, %swap3A_72], %add3A_70 {strides = array<i32>} : memref<1x128xf32, #tpu.memory_space<vmem>>, vector<1x128xf32>,
    } else {
    }
    return
  }
  func.func @transform_0(%arg0: i32) -> (i32, i32) {
    %c0_i32 = arith.constant 0 : i32
    %c0_i32_0 = arith.constant 0 : i32
    return %arg0, %c0_i32 : i32, i32
  }
  func.func @transform_1(%arg0: i32) -> (i32, i32) {
    %add3A = arith.constant 40 : i32
    %add3A_0 = arith.addi %add3A, %arg0 : i32
    %c0_i32 = arith.constant 0 : i32
    %c0_i32_1 = arith.constant 0 : i32
    return %add3A_0, %c0_i32 : i32, i32
  }
  func.func @transform_2(%arg0: i32) -> (i32, i32) {
    %c0_i32 = arith.constant 0 : i32
    %c0_i32_0 = arith.constant 0 : i32
    %c0_i32_1 = arith.constant 0 : i32
    return %c0_i32, %c0_i32_0 : i32, i32
  }
  func.func @transform_3(%arg0: i32) -> (i32, i32) {
    %c0_i32 = arith.constant 0 : i32
    %c0_i32_0 = arith.constant 0 : i32
    %c0_i32_1 = arith.constant 0 : i32
    return %c0_i32, %c0_i32_0 : i32, i32
  }
  func.func @transform_4(%arg0: i32) -> (i32, i32) {
    %c0_i32 = arith.constant 0 : i32
    %c0_i32_0 = arith.constant 0 : i32
    %c0_i32_1 = arith.constant 0 : i32
    return %c0_i32, %c0_i32_0 : i32, i32
  }
  func.func @transform_5(%arg0: i32) -> (i32, i32) {
    %c0_i32 = arith.constant 0 : i32
    %c0_i32_0 = arith.constant 0 : i32
    %c0_i32_1 = arith.constant 0 : i32
    return %c0_i32, %c0_i32_0 : i32, i32
  }
  func.func @transform_6(%arg0: i32) -> (i32, i32) {
    %c0_i32 = arith.constant 0 : i32
    %c0_i32_0 = arith.constant 0 : i32
    %c0_i32_1 = arith.constant 0 : i32
    return %c0_i32, %c0_i32_0 : i32, i32
  }
  func.func @transform_7(%arg0: i32) -> (i32, i32) {
    %c0_i32 = arith.constant 0 : i32
    %c0_i32_0 = arith.constant 0 : i32
    %c0_i32_1 = arith.constant 0 : i32
    return %c0_i32, %c0_i32_0 : i32, i32
  }
  func.func @transform_8(%arg0: i32) -> (i32, i32) {
    %c0_i32 = arith.constant 0 : i32
    %c0_i32_0 = arith.constant 0 : i32
    %c0_i32_1 = arith.constant 0 : i32
    return %c0_i32, %c0_i32_0 : i32, i32
  }
}

</mosaic_0001>

<sc_bundles>
// kernel: kernel.12.cloned.1.call-start
scs
__scs_entry_jumppad:
0x0: {  	(pc) =	sbr.rel $0x88, $3  }
0x1: {  	(tag) =	ssettag $0x0;
	lr =	simm.s32 $0x1  }
0x2: {  	[smem:$0x3F84] =	sst lr;
	_ =	strace $0xD0000000  }
0x3: {  	_ = 	snop  }
0x4: {  	_ = 	snop  }
0x5: {  	_ = 	snop  }
0x6: {  	_ = 	snop  }
0x7: {  	_ = 	snop  }
__scs_overlays_trampoline_lowered:
0x8: {  	[smem:$0x3F93] =	sst s0  }
0x9: {  	[smem:$0x3F94] =	sst s1  }
0xa: {  	[smem:$0x3F95] =	sst s2  }
0xb: {  	[smem:$0x3F96] =	sst s3  }
0xc: {  	[smem:$0x3F97] =	sst s4  }
0xd: {  	[smem:$0x3F98] =	sst s5  }
0xe: {  	[smem:$0x3F99] =	sst s6  }
0xf: {  	[smem:$0x3F9A] =	sst s7  }
0x10: {  	[smem:$0x3F9B] =	sst s8  }
0x11: {  	[smem:$0x3F9C] =	sst s9;
	s0 =	simm.s32 @!p0 $0x0  }
0x12: {  	s1 =	sld [smem:$0x3F82];
	s0 =	simm.s32 @p0 $0x1  }
0x13: {  	[smem:$0x3F9D] =	sst s0;
	s0 =	simm.s32 @!p1 $0x0  }
0x14: {  	s2 =	sld [smem:$0x3F81];
	s0 =	simm.s32 @p1 $0x1  }
0x15: {  	[smem:$0x3F9E] =	sst s0;
	s0 =	simm.s32 @!p2 $0x0  }
0x16: {  	s3 =	sld [smem:$0x3FDB];
	s0 =	simm.s32 @p2 $0x1  }
0x17: {  	s4 =	simm.s32 $0x1BF5;
	[smem:$0x3FA0] =	sst s0  }
0x18: {  	s0 =	sld [smem:$0x3F83];
	_ =	swait.ge [sflag:s4], $0x0  }
0x19: {  	s7 =	sld [smem:$0x3F84]  }
0x1a: {  	s8 =	sadd.s32 $0xFFFFE003, lr  }
0x1b: {  	s9 =	sadd.s32 $0xFFFFFEF7, lr;
	s5 =	simm.s32 $0xFFFFFFFF;
	p2 =	slt.u32 s8, $0xFFFFF086  }
0x1c: {  	p1 =	slt.u32 s9, $0xF7A;
	s5 =	simm.s32 @!p2 $0x0  }
0x1d: {  	s5 =	simm.s32 @p1 $0x1;
	p0 =	seq.s32 s7, s2  }
0x1e: {  	s7 =	smul.u32 @!p0 $0xF7A, s2;
	p2 =	seq.s32 @!p0 s5, $0x0  }
0x1f: {  	s9 =	smul.u32 $0xF7A, s1;
	s8 =	simm.s32 @!p0 $0x1BF5;
	p2 =	por !p2, p0  }
0x20: {  	[sflag:s8] =	ssyncset.s32 @!p0 $0xFFFFF086;
	s6 =	sadd.s32 @!p0 s3, s7;
	s7 =	simm.s32 @!p0 $0x108  }
0x21: {  	s3 =	sadd.s32 s3, s9;
	s6 =	sadd.s32 @!p0 $0x88, s6;
	s7 =	simm.s32 @p2 $0x1082  }
0x22: {  	[simem:s7], [sflag:s8] =	dma.local @!p0 [hbm:s6], $0xF7A  }
0x23: {  	s9 =	sor.u32 $0xD0000000, s2;
	s6 =	simm.s32 $0x108;
	_ =	swait.ge @!p0 [sflag:s8], $0x0  }
0x24: {  	s3 =	sadd.s32 $0x88, s3;
	s6 =	simm.s32 @!p1 $0x1082;
	[sflag:s4] =	ssyncset.s32 $0xFFFFF086  }
0x25: {  	[simem:s6], [sflag:s4] =	dma.local [hbm:s3], $0xF7A  }
0x26: {  	[smem:$0x3F84] =	sst s1;
	(tag) =	ssettag s2;
	_ =	strace s9  }
0x27: {  	s1 =	sld [smem:$0x3F94]  }
0x28: {  	s2 =	sld [smem:$0x3F95]  }
0x29: {  	s4 =	sld [smem:$0x3F97]  }
0x2a: {  	p0 =	seq.s32 s5, $0x0;
	s5 =	sld [smem:$0x3F98]  }
0x2b: {  	s6 =	sld [smem:$0x3F99]  }
0x2c: {  	s7 =	sld [smem:$0x3F9A]  }
0x2d: {  	s3 =	simm.s32 $0x108;
	s8 =	sld [smem:$0x3F9B]  }
0x2e: {  	s3 =	simm.s32 @!p0 $0x1082;
	s9 =	sld [smem:$0x3F9C]  }
0x2f: {  	lr =	sadd.s32 s0, s3;
	s0 =	sld [smem:$0x3F93]  }
0x30: {  	s3 =	sld [smem:$0x3F96]  }
0x31: {  	[smem:$0x3F9F] =	sst s10  }
0x32: {  	s10 =	sld [smem:$0x3F9D];
	_ =	sdelay $0x3  }
0x33: {  	p0 =	seq.s32 s10, $0x1;
	s10 =	sld [smem:$0x3F9F];
	_ =	sdelay $0x3  }
0x34: {  	[smem:$0x3F9F] =	sst s10  }
0x35: {  	s10 =	sld [smem:$0x3F9E];
	_ =	sdelay $0x3  }
0x36: {  	p1 =	seq.s32 s10, $0x1;
	s10 =	sld [smem:$0x3F9F];
	_ =	sdelay $0x3  }
0x37: {  	[smem:$0x3F9F] =	sst s10  }
0x38: {  	s10 =	sld [smem:$0x3FA0]  }
0x39: {  	_ = 	snop;
	(pc) =	sbr.ind lr, $3  }
0x3a: {  	_ = 	snop  }
0x3b: {  	_ = 	snop  }
0x3c: {  	p2 =	seq.s32 s10, $0x1;
	s10 =	sld [smem:$0x3F9F]  }
0x3d: {  	_ =	shalt  }
0x3e: {  	_ =	shalt  }
0x3f: {  	_ =	shalt  }
0x40: {  	_ =	shalt  }
0x41: {  	_ =	shalt  }
0x42: {  	_ =	shalt  }
0x43: {  	_ =	shalt  }
0x44: {  	_ =	shalt  }
0x45: {  	_ =	shalt  }
0x46: {  	_ =	shalt  }
0x47: {  	_ =	shalt  }
0x48: {  	_ =	shalt  }
0x49: {  	_ =	shalt  }
0x4a: {  	_ =	shalt  }
0x4b: {  	_ =	shalt  }
0x4c: {  	_ =	shalt  }
0x4d: {  	_ =	shalt  }
0x4e: {  	_ =	shalt  }
0x4f: {  	_ =	shalt  }
0x50: {  	_ =	shalt  }
0x51: {  	_ =	shalt  }
0x52: {  	_ =	shalt  }
0x53: {  	_ =	shalt  }
0x54: {  	_ =	shalt  }
0x55: {  	_ =	shalt  }
0x56: {  	_ =	shalt  }
0x57: {  	_ =	shalt  }
0x58: {  	_ =	shalt  }
0x59: {  	_ =	shalt  }
0x5a: {  	_ =	shalt  }
0x5b: {  	_ =	shalt  }
0x5c: {  	_ =	shalt  }
0x5d: {  	_ =	shalt  }
0x5e: {  	_ =	shalt  }
0x5f: {  	_ =	shalt  }
0x60: {  	_ =	shalt  }
0x61: {  	_ =	shalt  }
0x62: {  	_ =	shalt  }
0x63: {  	_ =	shalt  }
0x64: {  	_ =	shalt  }
0x65: {  	_ =	shalt  }
0x66: {  	_ =	shalt  }
0x67: {  	_ =	shalt  }
0x68: {  	_ =	shalt  }
0x69: {  	_ =	shalt  }
0x6a: {  	_ =	shalt  }
0x6b: {  	_ =	shalt  }
0x6c: {  	_ =	shalt  }
0x6d: {  	_ =	shalt  }
0x6e: {  	_ =	shalt  }
0x6f: {  	_ =	shalt  }
0x70: {  	_ =	shalt  }
0x71: {  	_ =	shalt  }
0x72: {  	_ =	shalt  }
0x73: {  	_ =	shalt  }
0x74: {  	_ =	shalt  }
0x75: {  	_ =	shalt  }
0x76: {  	_ =	shalt  }
0x77: {  	_ =	shalt  }
0x78: {  	_ =	shalt  }
0x79: {  	_ =	shalt  }
0x7a: {  	_ =	shalt  }
0x7b: {  	_ =	shalt  }
0x7c: {  	_ =	shalt  }
0x7d: {  	_ =	shalt  }
0x7e: {  	_ =	shalt  }
0x7f: {  	_ =	shalt  }
0x80: {  	_ =	shalt  }
0x81: {  	_ =	shalt  }
0x82: {  	_ =	shalt  }
0x83: {  	_ =	shalt  }
0x84: {  	_ =	shalt  }
0x85: {  	_ =	shalt  }
0x86: {  	_ =	shalt  }
0x87: {  	_ =	shalt  }
.Lfunc_end0:
.L_simem_size_0:
called_computation.1_lowered:
.L_overlay_start_0:
0x88: {  	s2 =	sld [smem:$0x3FD9]  }
0x89: {  	s3 =	sld [smem:$0x3FFE];
	_ =	sdelay $0x1  }
0x8a: {  	s1 =	srdreg.scid  }
0x8b: {  	s0 =	sand.u32 $0x1, s1  }
0x8c: {  	s16 =	sshll.u32 s0, $0xA;
	s2 =	sadd.s32 s3, s2  }
0x8d: {  	s2 =	sadd.s32 s2, s16  }
0x8e: {  	[smem:$0x3FAB] =	sst s2  }
0x8f: {  	_ = 	snop  }
0x90: {  	(tm) =	ssettm $0x1  }
0x91: {  	s17 =	sld [smem:$0x3FFB];
	_ =	sdelay $0x3  }
0x92: {  	_ =	strace s17  }
0x93: {  	s2 =	sld [smem:$0x3FFC];
	_ =	sdelay $0x3  }
0x94: {  	_ =	strace s2  }
0x95: {  	s2 =	sld [smem:$0x3FFD];
	_ =	sdelay $0x3  }
0x96: {  	_ =	strace s2  }
0x97: {  	_ =	strace $0x8FFFFFFF  }
0x98: {  	s18 =	sld [smem:$0x3FDB];
	_ =	sdelay $0x1  }
0x99: {  	s19 =	simm.s32 $_scs_section_size  }
0x9a: {  	s4 =	simm.s32 $_size__tile_overlayer_lowered;
	s5 =	simm.s32 $_tile_overlayer_lowered  }
0x9b: {  	s22 =	simm.s32 $0x1BFF;
	s21 =	sshll.u32 s5, $0x1;
	s2 =	sadd.s32 s19, s18  }
0x9c: {  	s6 =	simm.s32 $0x0;
	s20 =	sshll.u32 s4, $0x1;
	s4 =	sadd.s32 s21, s2  }
0x9d: {  	[timem:s6], [sflag:s22] =	dma.local [hbm:s4], s20  }
0x9e: {  	_ =	swait.ge [sflag:s22], s20  }
0x9f: {  	s3 =	ssub.s32 $0x0, s20;
	[sflag:s22] =	ssyncset.done $0x0  }
0xa0: {  	[sflag:s22] =	ssyncadd.s32 s3;
	_ =	sdelay $0x1  }
0xa1: {  	s23 =	simm.s32 $0x1B8B  }
0xa2: {  	_ =	swait.ge [sflag:s23], $0x1  }
0xa3: {  	[sflag:s23] =	ssyncset.done $0x0  }
0xa4: {  	s25 =	simm.s32 $0x1B8E;
	s24 =	sld [smem:$0x3FFE];
	[sflag:s23] =	ssyncadd.s32 $0xFFFFFFFF  }
0xa5: {  	s26 =	simm.s32 $execute0_lowered;
	[smem:$0x3FD2] =	sst s25  }
0xa6: {  	s4 =	sshll.u32 s26, $0x1;
	_ =	strace $0x80000049;
	[dreg:$0x1] =	wrdreg $0xFFFFFFFF  }
0xa7: {  	s28 =	simm.s32 $_size_execute0_lowered;
	s2 =	sadd.s32 s2, s4;
	[dreg:$0x0] =	wrdreg $0x0  }
0xa8: {  	s4 =	sshll.u32 s28, $0x1;
	[dreg:$0x2] =	wrdreg s2  }
0xa9: {  	[dreg:$0x3] =	wrdreg s4  }
0xaa: {  	[dreg:$0x4] =	wrdreg $0xC0  }
0xab: {  	_ =	task [dreg:s6], $0x5FFFF  }
0xac: {  	[dreg:$0x1] =	wrdreg $0xFFFFFFFF  }
0xad: {  	[dreg:$0x0] =	wrdreg $0x60  }
0xae: {  	[dreg:$0x2] =	wrdreg s24  }
0xaf: {  	[dreg:$0x3] =	wrdreg $0x41000  }
0xb0: {  	[dreg:$0x4] =	wrdreg $0x9  }
0xb1: {  	_ =	task.clear_ibuf [dreg:s6], $0x5FFFF;
	_ =	strace $0x90000049  }
0xb2: {  	s29 =	simm.s32 $0x9;
	_ =	strace $0x8000004B  }
0xb3: {  	_ =	swait.ge [sflag:s29], $0x1  }
0xb4: {  	[sflag:s29] =	ssyncadd.s32 $0xFFFFFFFF  }
0xb5: {  	_ =	strace $0x9000004B  }
0xb6: {  	_ =	sfence  }
0xb7: {  	s30 =	sld [smem:$0x0];
	_ =	sdelay $0x2  }
0xb8: {  	s31 =	sshll.u32 s1, $0xD;
	s1 =	sshrl.u32 s1, $0x2  }
0xb9: {  	s3 =	sand.u32 $0x4000, s31;
	s1 =	sadd.s32 s1, s30  }
0xba: {  	s0 =	sor.u32 s3, s0;
	s1 =	sshll.u32 s1, $0x11  }
0xbb: {  	s0 =	sor.u32 s1, s0  }
0xbc: {  	s0 =	sadd.s32 $0x8F2B, s0  }
0xbd: {  	[sflag:s0] =	ssyncadd.remote.s32 $0x1  }
0xbe: {  	_ =	sfence.sel $0xFFFF  }
0xbf: {  	[dreg:$0x0] =	wrdreg $0xFFFFFFFF;
	(pc) =	sbr.abs _section_cstart, $3  }
0xc0: {  	[dreg:$0x1] =	wrdreg $0xFFFFFFFF  }
0xc1: {  	_ =	task.clear_ibuf [dreg:s6], $0x2FFFF;
	_ =	strace $0x9FFFFFFF  }
0xc2: {  	(tm) =	ssettm $0x7FFFFFFF  }
0xc3: {  	_ =	shalt  }
tec
execute0_lowered:
.L_overlay_start_1:
0x0: {  	(tag) =	ssettag $0x1  }
0x1: {  	s6 =	rddreg [dreg:$0x0]  }
0x2: {  	s2 =	rddreg [dreg:$0x1]  }
0x3: {  	s0 =	srdreg.scid;
	s1 =	rddreg [dreg:$0x2]  }
0x4: {  	s3 =	simm.s32 $0x0;
	s13 =	simm.s32 $0x80;
	s5 =	sand.u32 $0x1, s0  }
0x5: {  	s14 =	simm.s32 $0x100;
	s0 =	stileid.u32;
	s4 =	smul.u32 $0x9C400, s5  }
0x6: {  	s15 =	simm.s32 $0x1;
	s16 =	simm.s32 $0x0;
	s8 =	smul.u32 $0x2800, s0  }
0x7: {  	[smem:$0x7FF] =	sst s3;
	s7 =	sshll.u32 s0, $0x8;
	s9 =	smul.u32 $0x28000, s5  }
0x8: {  	_ =	strace $0x8000004A;
	s28 =	ssub.s32 $0x2, s5;
	s11 =	smul.u32 $0x50000, s0  }
0x9: {  	s5 =	sadd.s32 $0x7CC00, s6;
	s31 =	sshll.u32 s0, $0x6;
	p0 =	slt.u32 s0, $0x4  }
0xa: {  	s29 =	sshrl.u32 s28, $0x1;
	s4 =	sadd.s32 s4, s7;
	s7 =	sand.u32 $0x300, s7  }
0xb: {  	s8 =	sadd.s32 s8, s9;
	s9 =	ssub.s32 s28, s29;
	s30 =	sshrl.u32 s11, $0x2  }
0xc: {  	s4 =	sand.u32 $0x1FFC00, s4;
	s8 =	sadd.s32 s8, s6;
	s12 =	sadd.s32 s30, s2  }
0xd: {  	s9 =	smax.u32 s9, $0x1;
	s7 =	sor.u32 s7, s4;
	s4 =	sadd.s32 $0x2CC00, s6  }
0xe: {  	s8 =	sadd.s32 $0xCF400, s8;
	s11 =	sshrl.u32 s12, $0x3;
	s7 =	sshrl.u32 s7, $0x3  }
0xf: {  	s12 =	simm.s32 $0x2;
	s10 =	sadd.s32 s7, s6;
	s6 =	simm.s32 $0x9D  }
0x10: {  	s7 =	sor.u32 $0x1C02, s31;
	s6 =	simm.s32 @!p0 $0x9C;
	s10 =	sadd.s32 $0x5A00, s10  }
.LBB2_1:
0x11: {  	[spmem:s11], [sflag:s7] =	dma.local [hbm:s5], $0x2800  }
0x12: {  	_ =	swait.ge [sflag:s12], $0x2800  }
0x13: {  	[sflag:s12] =	ssyncset.done $0x0  }
0x14: {  	[sflag:s12] =	ssyncadd.s32 $0xFFFFD800  }
0x15: {  	[bflag:$0x0] =	sbarrier.arrive $0xFFFF  }
0x16: {  	[tilespmem:s3], [sflag:$0x2] =	stream.linear.gather [hbm4b:s10+s3], $0x100, $0x38;
	[tilespmem:$0x18100] =	vst v63  }
0x17: {  	_ =	swait.ge [sflag:s12], $0x100  }
0x18: {  	[sflag:s12] =	ssyncset.done $0x0  }
0x19: {  	[sflag:s12] =	ssyncadd.s32 $0xFFFFFF00  }
0x1a: {  	[tilespmem:s14], [sflag:$0x1] =	stream.indirect.gather [hbm4b:s4+s13], $0x80, s3, s13, $0xb8;
	[tilespmem:$0x18100] =	vst v63  }
0x1b: {  	p0 =	sne.s32 s6, $0x1;
	_ =	swait.ge [sflag:s15], $0x4000  }
.Ltmp0:
0x1c: {  	[sflag:s15] =	ssyncset.done $0x0;
	(pc) =	sbr.rel @!p0 .LBB2_3-.Ltmp0, $4  }
0x1d: {  	[sflag:s15] =	ssyncadd.s32 $0xFFFFC000  }
0x1e: {  	[spmem:s2] =	stream.indirect.scatter.add.f32 [tilespmem:s14], [sflag:$0x2], $0x80, s13, s13, $0xb8;
	[tilespmem:$0x18100] =	vst v63  }
0x1f: {  	_ =	swait.ge [sflag:s12], $0x4000  }
0x20: {  	s17 =	sadd.s32 $0xFFFFFFFF, s6;
	s18 =	smov.u32 s10;
	[sflag:s12] =	ssyncset.done $0x0  }
.LBB2_2:
0x21: {  	p0 =	sne.s32 s17, $0x1;
	[sflag:s12] =	ssyncadd.s32 $0xFFFFC000;
	s18 =	sadd.s32 $0x200, s18  }
0x22: {  	[tilespmem:s3], [sflag:$0x2] =	stream.linear.gather [hbm4b:s18+s3], $0x100, $0x38;
	[tilespmem:$0x18100] =	vst v63  }
0x23: {  	s17 =	sadd.s32 $0xFFFFFFFF, s17;
	_ =	swait.ge [sflag:s12], $0x100  }
0x24: {  	[sflag:s12] =	ssyncset.done $0x0  }
0x25: {  	[sflag:s12] =	ssyncadd.s32 $0xFFFFFF00  }
0x26: {  	[tilespmem:s14], [sflag:$0x1] =	stream.indirect.gather [hbm4b:s4+s13], $0x80, s3, s13, $0xb8;
	[tilespmem:$0x18100] =	vst v63  }
0x27: {  	_ =	swait.ge [sflag:s15], $0x4000  }
.Ltmp1:
0x28: {  	[sflag:s15] =	ssyncset.done $0x0;
	(pc) =	sbr.rel @p0 .LBB2_2-.Ltmp1, $4  }
0x29: {  	[sflag:s15] =	ssyncadd.s32 $0xFFFFC000  }
0x2a: {  	[spmem:s2] =	stream.indirect.scatter.add.f32 [tilespmem:s14], [sflag:$0x2], $0x80, s13, s13, $0xb8;
	[tilespmem:$0x18100] =	vst v63  }
0x2b: {  	_ =	swait.ge [sflag:s12], $0x4000  }
0x2c: {  	[sflag:s12] =	ssyncset.done $0x0  }
.LBB2_3:
0x2d: {  	s16 =	sadd.s32 $0x1, s16  }
0x2e: {  	[sflag:s12] =	ssyncadd.s32 $0xFFFFC000;
	p0 =	sne.s32 s16, s9  }
.Ltmp2:
0x2f: {  	[bflag:$0x0] =	sbarrier.arrive $0xFFFF;
	(pc) =	sbr.rel @p0 .LBB2_1-.Ltmp2, $4  }
0x30: {  	[hbm:s8], [sflag:s7] =	dma.local [spmem:s11], $0x2800  }
0x31: {  	_ =	swait.ge [sflag:s12], $0x2800  }
0x32: {  	[sflag:s12] =	ssyncset.done $0x0  }
0x33: {  	[sflag:s12] =	ssyncadd.s32 $0xFFFFD800  }
0x34: {  	_ =	sfence.sel $0x180000  }
0x35: {  	[bflag:$0x0] =	sbarrier.arrive $0xFFFF  }
0x36: {  	p0 =	sne.s32 s0, $0x0;
	_ =	strace $0x9000004A  }
0x37: {  	s0 =	sadd.s32 @!p0 $0x100000, s1;
	[bflag:$0x2] =	sbarrier.arrive $0xFFFF  }
0x38: {  	[sflag:s0] =	ssyncadd.tile.s32 @!p0 $0x1;
	_ =	shalt  }
.Lfunc_end2:
_tile_overlayer_lowered:
.L_overlay_start_2:
0x39: {  	(tag) =	ssettag $0x2  }
0x3a: {  	s0 =	rddreg [dreg:$0x0];
	s2 =	stileid.u32  }
0x3b: {  	s1 =	rddreg [dreg:$0x1];
	p0 =	sne.s32 s2, $0x0  }
0x3c: {  	s3 =	rddreg [dreg:$0x2];
	[bflag:$0x3] =	sbarrier.arrive $0xFFFF;
	s2 =	simm.s32 @!p0 $0x1C02  }
0x3d: {  	[timem:s3], [sflag:s2] =	dma.local @!p0 [hbm:s0], s1  }
0x3e: {  	s0 =	simm.s32 @!p0 $0x2  }
0x3f: {  	_ =	swait.ge @!p0 [sflag:s0], s1  }
0x40: {  	s1 =	ssub.s32 @!p0 $0x0, s1;
	[sflag:s0] =	ssyncset.done @!p0 $0x0  }
0x41: {  	[sflag:s0] =	ssyncadd.s32 @!p0 s1  }
0x42: {  	[bflag:$0x3] =	sbarrier.arrive $0xFFFF  }
0x43: {  	_ =	shalt  }

// kernel: kernel.15.cloned.1.call-start
scs
__scs_entry_jumppad:
0x0: {  	(pc) =	sbr.rel $0x88, $3  }
0x1: {  	(tag) =	ssettag $0x0;
	lr =	simm.s32 $0x1  }
0x2: {  	[smem:$0x3F84] =	sst lr;
	_ =	strace $0xD0000000  }
0x3: {  	_ = 	snop  }
0x4: {  	_ = 	snop  }
0x5: {  	_ = 	snop  }
0x6: {  	_ = 	snop  }
0x7: {  	_ = 	snop  }
__scs_overlays_trampoline_lowered:
0x8: {  	[smem:$0x3F93] =	sst s0  }
0x9: {  	[smem:$0x3F94] =	sst s1  }
0xa: {  	[smem:$0x3F95] =	sst s2  }
0xb: {  	[smem:$0x3F96] =	sst s3  }
0xc: {  	[smem:$0x3F97] =	sst s4  }
0xd: {  	[smem:$0x3F98] =	sst s5  }
0xe: {  	[smem:$0x3F99] =	sst s6  }
0xf: {  	[smem:$0x3F9A] =	sst s7  }
0x10: {  	[smem:$0x3F9B] =	sst s8  }
0x11: {  	[smem:$0x3F9C] =	sst s9;
	s0 =	simm.s32 @!p0 $0x0  }
0x12: {  	s1 =	sld [smem:$0x3F82];
	s0 =	simm.s32 @p0 $0x1  }
0x13: {  	[smem:$0x3F9D] =	sst s0;
	s0 =	simm.s32 @!p1 $0x0  }
0x14: {  	s2 =	sld [smem:$0x3F81];
	s0 =	simm.s32 @p1 $0x1  }
0x15: {  	[smem:$0x3F9E] =	sst s0;
	s0 =	simm.s32 @!p2 $0x0  }
0x16: {  	s3 =	sld [smem:$0x3FDB];
	s0 =	simm.s32 @p2 $0x1  }
0x17: {  	s4 =	simm.s32 $0x1BF5;
	[smem:$0x3FA0] =	sst s0  }
0x18: {  	s0 =	sld [smem:$0x3F83];
	_ =	swait.ge [sflag:s4], $0x0  }
0x19: {  	s7 =	sld [smem:$0x3F84]  }
0x1a: {  	s8 =	sadd.s32 $0xFFFFE003, lr  }
0x1b: {  	s9 =	sadd.s32 $0xFFFFFEF7, lr;
	s5 =	simm.s32 $0xFFFFFFFF;
	p2 =	slt.u32 s8, $0xFFFFF086  }
0x1c: {  	p1 =	slt.u32 s9, $0xF7A;
	s5 =	simm.s32 @!p2 $0x0  }
0x1d: {  	s5 =	simm.s32 @p1 $0x1;
	p0 =	seq.s32 s7, s2  }
0x1e: {  	s7 =	smul.u32 @!p0 $0xF7A, s2;
	p2 =	seq.s32 @!p0 s5, $0x0  }
0x1f: {  	s9 =	smul.u32 $0xF7A, s1;
	s8 =	simm.s32 @!p0 $0x1BF5;
	p2 =	por !p2, p0  }
0x20: {  	[sflag:s8] =	ssyncset.s32 @!p0 $0xFFFFF086;
	s6 =	sadd.s32 @!p0 s3, s7;
	s7 =	simm.s32 @!p0 $0x108  }
0x21: {  	s3 =	sadd.s32 s3, s9;
	s6 =	sadd.s32 @!p0 $0x88, s6;
	s7 =	simm.s32 @p2 $0x1082  }
0x22: {  	[simem:s7], [sflag:s8] =	dma.local @!p0 [hbm:s6], $0xF7A  }
0x23: {  	s9 =	sor.u32 $0xD0000000, s2;
	s6 =	simm.s32 $0x108;
	_ =	swait.ge @!p0 [sflag:s8], $0x0  }
0x24: {  	s3 =	sadd.s32 $0x88, s3;
	s6 =	simm.s32 @!p1 $0x1082;
	[sflag:s4] =	ssyncset.s32 $0xFFFFF086  }
0x25: {  	[simem:s6], [sflag:s4] =	dma.local [hbm:s3], $0xF7A  }
0x26: {  	[smem:$0x3F84] =	sst s1;
	(tag) =	ssettag s2;
	_ =	strace s9  }
0x27: {  	s1 =	sld [smem:$0x3F94]  }
0x28: {  	s2 =	sld [smem:$0x3F95]  }
0x29: {  	s4 =	sld [smem:$0x3F97]  }
0x2a: {  	p0 =	seq.s32 s5, $0x0;
	s5 =	sld [smem:$0x3F98]  }
0x2b: {  	s6 =	sld [smem:$0x3F99]  }
0x2c: {  	s7 =	sld [smem:$0x3F9A]  }
0x2d: {  	s3 =	simm.s32 $0x108;
	s8 =	sld [smem:$0x3F9B]  }
0x2e: {  	s3 =	simm.s32 @!p0 $0x1082;
	s9 =	sld [smem:$0x3F9C]  }
0x2f: {  	lr =	sadd.s32 s0, s3;
	s0 =	sld [smem:$0x3F93]  }
0x30: {  	s3 =	sld [smem:$0x3F96]  }
0x31: {  	[smem:$0x3F9F] =	sst s10  }
0x32: {  	s10 =	sld [smem:$0x3F9D];
	_ =	sdelay $0x3  }
0x33: {  	p0 =	seq.s32 s10, $0x1;
	s10 =	sld [smem:$0x3F9F];
	_ =	sdelay $0x3  }
0x34: {  	[smem:$0x3F9F] =	sst s10  }
0x35: {  	s10 =	sld [smem:$0x3F9E];
	_ =	sdelay $0x3  }
0x36: {  	p1 =	seq.s32 s10, $0x1;
	s10 =	sld [smem:$0x3F9F];
	_ =	sdelay $0x3  }
0x37: {  	[smem:$0x3F9F] =	sst s10  }
0x38: {  	s10 =	sld [smem:$0x3FA0]  }
0x39: {  	_ = 	snop;
	(pc) =	sbr.ind lr, $3  }
0x3a: {  	_ = 	snop  }
0x3b: {  	_ = 	snop  }
0x3c: {  	p2 =	seq.s32 s10, $0x1;
	s10 =	sld [smem:$0x3F9F]  }
0x3d: {  	_ =	shalt  }
0x3e: {  	_ =	shalt  }
0x3f: {  	_ =	shalt  }
0x40: {  	_ =	shalt  }
0x41: {  	_ =	shalt  }
0x42: {  	_ =	shalt  }
0x43: {  	_ =	shalt  }
0x44: {  	_ =	shalt  }
0x45: {  	_ =	shalt  }
0x46: {  	_ =	shalt  }
0x47: {  	_ =	shalt  }
0x48: {  	_ =	shalt  }
0x49: {  	_ =	shalt  }
0x4a: {  	_ =	shalt  }
0x4b: {  	_ =	shalt  }
0x4c: {  	_ =	shalt  }
0x4d: {  	_ =	shalt  }
0x4e: {  	_ =	shalt  }
0x4f: {  	_ =	shalt  }
0x50: {  	_ =	shalt  }
0x51: {  	_ =	shalt  }
0x52: {  	_ =	shalt  }
0x53: {  	_ =	shalt  }
0x54: {  	_ =	shalt  }
0x55: {  	_ =	shalt  }
0x56: {  	_ =	shalt  }
0x57: {  	_ =	shalt  }
0x58: {  	_ =	shalt  }
0x59: {  	_ =	shalt  }
0x5a: {  	_ =	shalt  }
0x5b: {  	_ =	shalt  }
0x5c: {  	_ =	shalt  }
0x5d: {  	_ =	shalt  }
0x5e: {  	_ =	shalt  }
0x5f: {  	_ =	shalt  }
0x60: {  	_ =	shalt  }
0x61: {  	_ =	shalt  }
0x62: {  	_ =	shalt  }
0x63: {  	_ =	shalt  }
0x64: {  	_ =	shalt  }
0x65: {  	_ =	shalt  }
0x66: {  	_ =	shalt  }
0x67: {  	_ =	shalt  }
0x68: {  	_ =	shalt  }
0x69: {  	_ =	shalt  }
0x6a: {  	_ =	shalt  }
0x6b: {  	_ =	shalt  }
0x6c: {  	_ =	shalt  }
0x6d: {  	_ =	shalt  }
0x6e: {  	_ =	shalt  }
0x6f: {  	_ =	shalt  }
0x70: {  	_ =	shalt  }
0x71: {  	_ =	shalt  }
0x72: {  	_ =	shalt  }
0x73: {  	_ =	shalt  }
0x74: {  	_ =	shalt  }
0x75: {  	_ =	shalt  }
0x76: {  	_ =	shalt  }
0x77: {  	_ =	shalt  }
0x78: {  	_ =	shalt  }
0x79: {  	_ =	shalt  }
0x7a: {  	_ =	shalt  }
0x7b: {  	_ =	shalt  }
0x7c: {  	_ =	shalt  }
0x7d: {  	_ =	shalt  }
0x7e: {  	_ =	shalt  }
0x7f: {  	_ =	shalt  }
0x80: {  	_ =	shalt  }
0x81: {  	_ =	shalt  }
0x82: {  	_ =	shalt  }
0x83: {  	_ =	shalt  }
0x84: {  	_ =	shalt  }
0x85: {  	_ =	shalt  }
0x86: {  	_ =	shalt  }
0x87: {  	_ =	shalt  }
.Lfunc_end0:
.L_simem_size_0:
called_computation.2_lowered:
.L_overlay_start_0:
0x88: {  	s2 =	sld [smem:$0x3FD9]  }
0x89: {  	s3 =	sld [smem:$0x3FFE];
	_ =	sdelay $0x1  }
0x8a: {  	s1 =	srdreg.scid  }
0x8b: {  	s0 =	sand.u32 $0x1, s1  }
0x8c: {  	s16 =	sshll.u32 s0, $0xA;
	s2 =	sadd.s32 s3, s2  }
0x8d: {  	s2 =	sadd.s32 s2, s16  }
0x8e: {  	[smem:$0x3FAB] =	sst s2  }
0x8f: {  	_ = 	snop  }
0x90: {  	(tm) =	ssettm $0x1  }
0x91: {  	s17 =	sld [smem:$0x3FFB];
	_ =	sdelay $0x3  }
0x92: {  	_ =	strace s17  }
0x93: {  	s2 =	sld [smem:$0x3FFC];
	_ =	sdelay $0x3  }
0x94: {  	_ =	strace s2  }
0x95: {  	s2 =	sld [smem:$0x3FFD];
	_ =	sdelay $0x3  }
0x96: {  	_ =	strace s2  }
0x97: {  	_ =	strace $0x8FFFFFFF  }
0x98: {  	s18 =	sld [smem:$0x3FDB];
	_ =	sdelay $0x1  }
0x99: {  	s19 =	simm.s32 $_scs_section_size  }
0x9a: {  	s4 =	simm.s32 $_size__tile_overlayer_lowered;
	s5 =	simm.s32 $_tile_overlayer_lowered  }
0x9b: {  	s22 =	simm.s32 $0x1BFF;
	s21 =	sshll.u32 s5, $0x1;
	s2 =	sadd.s32 s19, s18  }
0x9c: {  	s6 =	simm.s32 $0x0;
	s20 =	sshll.u32 s4, $0x1;
	s4 =	sadd.s32 s21, s2  }
0x9d: {  	[timem:s6], [sflag:s22] =	dma.local [hbm:s4], s20  }
0x9e: {  	_ =	swait.ge [sflag:s22], s20  }
0x9f: {  	s3 =	ssub.s32 $0x0, s20;
	[sflag:s22] =	ssyncset.done $0x0  }
0xa0: {  	[sflag:s22] =	ssyncadd.s32 s3;
	_ =	sdelay $0x1  }
0xa1: {  	s23 =	simm.s32 $0x1B8B  }
0xa2: {  	_ =	swait.ge [sflag:s23], $0x1  }
0xa3: {  	[sflag:s23] =	ssyncset.done $0x0  }
0xa4: {  	s25 =	simm.s32 $0x1B8E;
	s24 =	sld [smem:$0x3FFE];
	[sflag:s23] =	ssyncadd.s32 $0xFFFFFFFF  }
0xa5: {  	s26 =	simm.s32 $execute0_lowered;
	[smem:$0x3FD2] =	sst s25  }
0xa6: {  	s4 =	sshll.u32 s26, $0x1;
	_ =	strace $0x8000004C;
	[dreg:$0x1] =	wrdreg $0xFFFFFFFF  }
0xa7: {  	s28 =	simm.s32 $_size_execute0_lowered;
	s2 =	sadd.s32 s2, s4;
	[dreg:$0x0] =	wrdreg $0x0  }
0xa8: {  	s4 =	sshll.u32 s28, $0x1;
	[dreg:$0x2] =	wrdreg s2  }
0xa9: {  	[dreg:$0x3] =	wrdreg s4  }
0xaa: {  	[dreg:$0x4] =	wrdreg $0xC0  }
0xab: {  	_ =	task [dreg:s6], $0x5FFFF  }
0xac: {  	[dreg:$0x1] =	wrdreg $0xFFFFFFFF  }
0xad: {  	[dreg:$0x0] =	wrdreg $0x60  }
0xae: {  	[dreg:$0x2] =	wrdreg s24  }
0xaf: {  	[dreg:$0x3] =	wrdreg $0x41000  }
0xb0: {  	[dreg:$0x4] =	wrdreg $0x9  }
0xb1: {  	_ =	task.clear_ibuf [dreg:s6], $0x5FFFF;
	_ =	strace $0x9000004C  }
0xb2: {  	s29 =	simm.s32 $0x9;
	_ =	strace $0x8000004E  }
0xb3: {  	_ =	swait.ge [sflag:s29], $0x1  }
0xb4: {  	[sflag:s29] =	ssyncadd.s32 $0xFFFFFFFF  }
0xb5: {  	_ =	strace $0x9000004E  }
0xb6: {  	_ =	sfence  }
0xb7: {  	s30 =	sld [smem:$0x0];
	_ =	sdelay $0x2  }
0xb8: {  	s31 =	sshll.u32 s1, $0xD;
	s1 =	sshrl.u32 s1, $0x2  }
0xb9: {  	s3 =	sand.u32 $0x4000, s31;
	s1 =	sadd.s32 s1, s30  }
0xba: {  	s0 =	sor.u32 s3, s0;
	s1 =	sshll.u32 s1, $0x11  }
0xbb: {  	s0 =	sor.u32 s1, s0  }
0xbc: {  	s0 =	sadd.s32 $0x8F2B, s0  }
0xbd: {  	[sflag:s0] =	ssyncadd.remote.s32 $0x1  }
0xbe: {  	_ =	sfence.sel $0xFFFF  }
0xbf: {  	[dreg:$0x0] =	wrdreg $0xFFFFFFFF;
	(pc) =	sbr.abs _section_cstart, $3  }
0xc0: {  	[dreg:$0x1] =	wrdreg $0xFFFFFFFF  }
0xc1: {  	_ =	task.clear_ibuf [dreg:s6], $0x2FFFF;
	_ =	strace $0x9FFFFFFF  }
0xc2: {  	(tm) =	ssettm $0x7FFFFFFF  }
0xc3: {  	_ =	shalt  }
tec
execute0_lowered:
.L_overlay_start_1:
0x0: {  	(tag) =	ssettag $0x1  }
0x1: {  	s6 =	rddreg [dreg:$0x0]  }
0x2: {  	s2 =	rddreg [dreg:$0x1]  }
0x3: {  	s0 =	srdreg.scid;
	s1 =	rddreg [dreg:$0x2]  }
0x4: {  	s3 =	simm.s32 $0x0;
	s13 =	simm.s32 $0x80;
	s5 =	sand.u32 $0x1, s0  }
0x5: {  	s14 =	simm.s32 $0x100;
	s0 =	stileid.u32;
	s4 =	smul.u32 $0x9C400, s5  }
0x6: {  	s15 =	simm.s32 $0x1;
	s16 =	simm.s32 $0x0;
	s8 =	smul.u32 $0x2800, s0  }
0x7: {  	[smem:$0x7FF] =	sst s3;
	s7 =	sshll.u32 s0, $0x8;
	s9 =	smul.u32 $0x28000, s5  }
0x8: {  	_ =	strace $0x8000004D;
	s28 =	ssub.s32 $0x2, s5;
	s11 =	smul.u32 $0x50000, s0  }
0x9: {  	s5 =	sadd.s32 $0x7CC00, s6;
	s31 =	sshll.u32 s0, $0x6;
	p0 =	slt.u32 s0, $0x4  }
0xa: {  	s29 =	sshrl.u32 s28, $0x1;
	s4 =	sadd.s32 s4, s7;
	s7 =	sand.u32 $0x300, s7  }
0xb: {  	s8 =	sadd.s32 s8, s9;
	s9 =	ssub.s32 s28, s29;
	s30 =	sshrl.u32 s11, $0x2  }
0xc: {  	s4 =	sand.u32 $0x1FFC00, s4;
	s8 =	sadd.s32 s8, s6;
	s12 =	sadd.s32 s30, s2  }
0xd: {  	s9 =	smax.u32 s9, $0x1;
	s7 =	sor.u32 s7, s4;
	s4 =	sadd.s32 $0x2CC00, s6  }
0xe: {  	s8 =	sadd.s32 $0xCF400, s8;
	s11 =	sshrl.u32 s12, $0x3;
	s7 =	sshrl.u32 s7, $0x3  }
0xf: {  	s12 =	simm.s32 $0x2;
	s10 =	sadd.s32 s7, s6;
	s6 =	simm.s32 $0x9D  }
0x10: {  	s7 =	sor.u32 $0x1C02, s31;
	s6 =	simm.s32 @!p0 $0x9C;
	s10 =	sadd.s32 $0x5A00, s10  }
.LBB2_1:
0x11: {  	[spmem:s11], [sflag:s7] =	dma.local [hbm:s5], $0x2800  }
0x12: {  	_ =	swait.ge [sflag:s12], $0x2800  }
0x13: {  	[sflag:s12] =	ssyncset.done $0x0  }
0x14: {  	[sflag:s12] =	ssyncadd.s32 $0xFFFFD800  }
0x15: {  	[bflag:$0x0] =	sbarrier.arrive $0xFFFF  }
0x16: {  	[tilespmem:s3], [sflag:$0x2] =	stream.linear.gather [hbm4b:s10+s3], $0x100, $0x38;
	[tilespmem:$0x18100] =	vst v63  }
0x17: {  	_ =	swait.ge [sflag:s12], $0x100  }
0x18: {  	[sflag:s12] =	ssyncset.done $0x0  }
0x19: {  	[sflag:s12] =	ssyncadd.s32 $0xFFFFFF00  }
0x1a: {  	[tilespmem:s14], [sflag:$0x1] =	stream.indirect.gather [hbm4b:s4+s13], $0x80, s3, s13, $0xb8;
	[tilespmem:$0x18100] =	vst v63  }
0x1b: {  	p0 =	sne.s32 s6, $0x1;
	_ =	swait.ge [sflag:s15], $0x4000  }
.Ltmp0:
0x1c: {  	[sflag:s15] =	ssyncset.done $0x0;
	(pc) =	sbr.rel @!p0 .LBB2_3-.Ltmp0, $4  }
0x1d: {  	[sflag:s15] =	ssyncadd.s32 $0xFFFFC000  }
0x1e: {  	[spmem:s2] =	stream.indirect.scatter.add.f32 [tilespmem:s14], [sflag:$0x2], $0x80, s13, s13, $0xb8;
	[tilespmem:$0x18100] =	vst v63  }
0x1f: {  	_ =	swait.ge [sflag:s12], $0x4000  }
0x20: {  	s17 =	sadd.s32 $0xFFFFFFFF, s6;
	s18 =	smov.u32 s10;
	[sflag:s12] =	ssyncset.done $0x0  }
.LBB2_2:
0x21: {  	p0 =	sne.s32 s17, $0x1;
	[sflag:s12] =	ssyncadd.s32 $0xFFFFC000;
	s18 =	sadd.s32 $0x200, s18  }
0x22: {  	[tilespmem:s3], [sflag:$0x2] =	stream.linear.gather [hbm4b:s18+s3], $0x100, $0x38;
	[tilespmem:$0x18100] =	vst v63  }
0x23: {  	s17 =	sadd.s32 $0xFFFFFFFF, s17;
	_ =	swait.ge [sflag:s12], $0x100  }
0x24: {  	[sflag:s12] =	ssyncset.done $0x0  }
0x25: {  	[sflag:s12] =	ssyncadd.s32 $0xFFFFFF00  }
0x26: {  	[tilespmem:s14], [sflag:$0x1] =	stream.indirect.gather [hbm4b:s4+s13], $0x80, s3, s13, $0xb8;
	[tilespmem:$0x18100] =	vst v63  }
0x27: {  	_ =	swait.ge [sflag:s15], $0x4000  }
.Ltmp1:
0x28: {  	[sflag:s15] =	ssyncset.done $0x0;
	(pc) =	sbr.rel @p0 .LBB2_2-.Ltmp1, $4  }
0x29: {  	[sflag:s15] =	ssyncadd.s32 $0xFFFFC000  }
0x2a: {  	[spmem:s2] =	stream.indirect.scatter.add.f32 [tilespmem:s14], [sflag:$0x2], $0x80, s13, s13, $0xb8;
	[tilespmem:$0x18100] =	vst v63  }
0x2b: {  	_ =	swait.ge [sflag:s12], $0x4000  }
0x2c: {  	[sflag:s12] =	ssyncset.done $0x0  }
.LBB2_3:
0x2d: {  	s16 =	sadd.s32 $0x1, s16  }
0x2e: {  	[sflag:s12] =	ssyncadd.s32 $0xFFFFC000;
	p0 =	sne.s32 s16, s9  }
.Ltmp2:
0x2f: {  	[bflag:$0x0] =	sbarrier.arrive $0xFFFF;
	(pc) =	sbr.rel @p0 .LBB2_1-.Ltmp2, $4  }
0x30: {  	[hbm:s8], [sflag:s7] =	dma.local [spmem:s11], $0x2800  }
0x31: {  	_ =	swait.ge [sflag:s12], $0x2800  }
0x32: {  	[sflag:s12] =	ssyncset.done $0x0  }
0x33: {  	[sflag:s12] =	ssyncadd.s32 $0xFFFFD800  }
0x34: {  	_ =	sfence.sel $0x180000  }
0x35: {  	[bflag:$0x0] =	sbarrier.arrive $0xFFFF  }
0x36: {  	p0 =	sne.s32 s0, $0x0;
	_ =	strace $0x9000004D  }
0x37: {  	s0 =	sadd.s32 @!p0 $0x100000, s1;
	[bflag:$0x2] =	sbarrier.arrive $0xFFFF  }
0x38: {  	[sflag:s0] =	ssyncadd.tile.s32 @!p0 $0x1;
	_ =	shalt  }
.Lfunc_end2:
_tile_overlayer_lowered:
.L_overlay_start_2:
0x39: {  	(tag) =	ssettag $0x2  }
0x3a: {  	s0 =	rddreg [dreg:$0x0];
	s2 =	stileid.u32  }
0x3b: {  	s1 =	rddreg [dreg:$0x1];
	p0 =	sne.s32 s2, $0x0  }
0x3c: {  	s3 =	rddreg [dreg:$0x2];
	[bflag:$0x3] =	sbarrier.arrive $0xFFFF;
	s2 =	simm.s32 @!p0 $0x1C02  }
0x3d: {  	[timem:s3], [sflag:s2] =	dma.local @!p0 [hbm:s0], s1  }
0x3e: {  	s0 =	simm.s32 @!p0 $0x2  }
0x3f: {  	_ =	swait.ge @!p0 [sflag:s0], s1  }
0x40: {  	s1 =	ssub.s32 @!p0 $0x0, s1;
	[sflag:s0] =	ssyncset.done @!p0 $0x0  }
0x41: {  	[sflag:s0] =	ssyncadd.s32 @!p0 s1  }
0x42: {  	[bflag:$0x3] =	sbarrier.arrive $0xFFFF  }
0x43: {  	_ =	shalt  }

// kernel: kernel.9.cloned.1.call-start
scs
__scs_entry_jumppad:
0x0: {  	(pc) =	sbr.rel $0x88, $3  }
0x1: {  	(tag) =	ssettag $0x0;
	lr =	simm.s32 $0x1  }
0x2: {  	[smem:$0x3F84] =	sst lr;
	_ =	strace $0xD0000000  }
0x3: {  	_ = 	snop  }
0x4: {  	_ = 	snop  }
0x5: {  	_ = 	snop  }
0x6: {  	_ = 	snop  }
0x7: {  	_ = 	snop  }
__scs_overlays_trampoline_lowered:
0x8: {  	[smem:$0x3F93] =	sst s0  }
0x9: {  	[smem:$0x3F94] =	sst s1  }
0xa: {  	[smem:$0x3F95] =	sst s2  }
0xb: {  	[smem:$0x3F96] =	sst s3  }
0xc: {  	[smem:$0x3F97] =	sst s4  }
0xd: {  	[smem:$0x3F98] =	sst s5  }
0xe: {  	[smem:$0x3F99] =	sst s6  }
0xf: {  	[smem:$0x3F9A] =	sst s7  }
0x10: {  	[smem:$0x3F9B] =	sst s8  }
0x11: {  	[smem:$0x3F9C] =	sst s9;
	s0 =	simm.s32 @!p0 $0x0  }
0x12: {  	s1 =	sld [smem:$0x3F82];
	s0 =	simm.s32 @p0 $0x1  }
0x13: {  	[smem:$0x3F9D] =	sst s0;
	s0 =	simm.s32 @!p1 $0x0  }
0x14: {  	s2 =	sld [smem:$0x3F81];
	s0 =	simm.s32 @p1 $0x1  }
0x15: {  	[smem:$0x3F9E] =	sst s0;
	s0 =	simm.s32 @!p2 $0x0  }
0x16: {  	s3 =	sld [smem:$0x3FDB];
	s0 =	simm.s32 @p2 $0x1  }
0x17: {  	s4 =	simm.s32 $0x1BF5;
	[smem:$0x3FA0] =	sst s0  }
0x18: {  	s0 =	sld [smem:$0x3F83];
	_ =	swait.ge [sflag:s4], $0x0  }
0x19: {  	s7 =	sld [smem:$0x3F84]  }
0x1a: {  	s8 =	sadd.s32 $0xFFFFE003, lr  }
0x1b: {  	s9 =	sadd.s32 $0xFFFFFEF7, lr;
	s5 =	simm.s32 $0xFFFFFFFF;
	p2 =	slt.u32 s8, $0xFFFFF086  }
0x1c: {  	p1 =	slt.u32 s9, $0xF7A;
	s5 =	simm.s32 @!p2 $0x0  }
0x1d: {  	s5 =	simm.s32 @p1 $0x1;
	p0 =	seq.s32 s7, s2  }
0x1e: {  	s7 =	smul.u32 @!p0 $0xF7A, s2;
	p2 =	seq.s32 @!p0 s5, $0x0  }
0x1f: {  	s9 =	smul.u32 $0xF7A, s1;
	s8 =	simm.s32 @!p0 $0x1BF5;
	p2 =	por !p2, p0  }
0x20: {  	[sflag:s8] =	ssyncset.s32 @!p0 $0xFFFFF086;
	s6 =	sadd.s32 @!p0 s3, s7;
	s7 =	simm.s32 @!p0 $0x108  }
0x21: {  	s3 =	sadd.s32 s3, s9;
	s6 =	sadd.s32 @!p0 $0x88, s6;
	s7 =	simm.s32 @p2 $0x1082  }
0x22: {  	[simem:s7], [sflag:s8] =	dma.local @!p0 [hbm:s6], $0xF7A  }
0x23: {  	s9 =	sor.u32 $0xD0000000, s2;
	s6 =	simm.s32 $0x108;
	_ =	swait.ge @!p0 [sflag:s8], $0x0  }
0x24: {  	s3 =	sadd.s32 $0x88, s3;
	s6 =	simm.s32 @!p1 $0x1082;
	[sflag:s4] =	ssyncset.s32 $0xFFFFF086  }
0x25: {  	[simem:s6], [sflag:s4] =	dma.local [hbm:s3], $0xF7A  }
0x26: {  	[smem:$0x3F84] =	sst s1;
	(tag) =	ssettag s2;
	_ =	strace s9  }
0x27: {  	s1 =	sld [smem:$0x3F94]  }
0x28: {  	s2 =	sld [smem:$0x3F95]  }
0x29: {  	s4 =	sld [smem:$0x3F97]  }
0x2a: {  	p0 =	seq.s32 s5, $0x0;
	s5 =	sld [smem:$0x3F98]  }
0x2b: {  	s6 =	sld [smem:$0x3F99]  }
0x2c: {  	s7 =	sld [smem:$0x3F9A]  }
0x2d: {  	s3 =	simm.s32 $0x108;
	s8 =	sld [smem:$0x3F9B]  }
0x2e: {  	s3 =	simm.s32 @!p0 $0x1082;
	s9 =	sld [smem:$0x3F9C]  }
0x2f: {  	lr =	sadd.s32 s0, s3;
	s0 =	sld [smem:$0x3F93]  }
0x30: {  	s3 =	sld [smem:$0x3F96]  }
0x31: {  	[smem:$0x3F9F] =	sst s10  }
0x32: {  	s10 =	sld [smem:$0x3F9D];
	_ =	sdelay $0x3  }
0x33: {  	p0 =	seq.s32 s10, $0x1;
	s10 =	sld [smem:$0x3F9F];
	_ =	sdelay $0x3  }
0x34: {  	[smem:$0x3F9F] =	sst s10  }
0x35: {  	s10 =	sld [smem:$0x3F9E];
	_ =	sdelay $0x3  }
0x36: {  	p1 =	seq.s32 s10, $0x1;
	s10 =	sld [smem:$0x3F9F];
	_ =	sdelay $0x3  }
0x37: {  	[smem:$0x3F9F] =	sst s10  }
0x38: {  	s10 =	sld [smem:$0x3FA0]  }
0x39: {  	_ = 	snop;
	(pc) =	sbr.ind lr, $3  }
0x3a: {  	_ = 	snop  }
0x3b: {  	_ = 	snop  }
0x3c: {  	p2 =	seq.s32 s10, $0x1;
	s10 =	sld [smem:$0x3F9F]  }
0x3d: {  	_ =	shalt  }
0x3e: {  	_ =	shalt  }
0x3f: {  	_ =	shalt  }
0x40: {  	_ =	shalt  }
0x41: {  	_ =	shalt  }
0x42: {  	_ =	shalt  }
0x43: {  	_ =	shalt  }
0x44: {  	_ =	shalt  }
0x45: {  	_ =	shalt  }
0x46: {  	_ =	shalt  }
0x47: {  	_ =	shalt  }
0x48: {  	_ =	shalt  }
0x49: {  	_ =	shalt  }
0x4a: {  	_ =	shalt  }
0x4b: {  	_ =	shalt  }
0x4c: {  	_ =	shalt  }
0x4d: {  	_ =	shalt  }
0x4e: {  	_ =	shalt  }
0x4f: {  	_ =	shalt  }
0x50: {  	_ =	shalt  }
0x51: {  	_ =	shalt  }
0x52: {  	_ =	shalt  }
0x53: {  	_ =	shalt  }
0x54: {  	_ =	shalt  }
0x55: {  	_ =	shalt  }
0x56: {  	_ =	shalt  }
0x57: {  	_ =	shalt  }
0x58: {  	_ =	shalt  }
0x59: {  	_ =	shalt  }
0x5a: {  	_ =	shalt  }
0x5b: {  	_ =	shalt  }
0x5c: {  	_ =	shalt  }
0x5d: {  	_ =	shalt  }
0x5e: {  	_ =	shalt  }
0x5f: {  	_ =	shalt  }
0x60: {  	_ =	shalt  }
0x61: {  	_ =	shalt  }
0x62: {  	_ =	shalt  }
0x63: {  	_ =	shalt  }
0x64: {  	_ =	shalt  }
0x65: {  	_ =	shalt  }
0x66: {  	_ =	shalt  }
0x67: {  	_ =	shalt  }
0x68: {  	_ =	shalt  }
0x69: {  	_ =	shalt  }
0x6a: {  	_ =	shalt  }
0x6b: {  	_ =	shalt  }
0x6c: {  	_ =	shalt  }
0x6d: {  	_ =	shalt  }
0x6e: {  	_ =	shalt  }
0x6f: {  	_ =	shalt  }
0x70: {  	_ =	shalt  }
0x71: {  	_ =	shalt  }
0x72: {  	_ =	shalt  }
0x73: {  	_ =	shalt  }
0x74: {  	_ =	shalt  }
0x75: {  	_ =	shalt  }
0x76: {  	_ =	shalt  }
0x77: {  	_ =	shalt  }
0x78: {  	_ =	shalt  }
0x79: {  	_ =	shalt  }
0x7a: {  	_ =	shalt  }
0x7b: {  	_ =	shalt  }
0x7c: {  	_ =	shalt  }
0x7d: {  	_ =	shalt  }
0x7e: {  	_ =	shalt  }
0x7f: {  	_ =	shalt  }
0x80: {  	_ =	shalt  }
0x81: {  	_ =	shalt  }
0x82: {  	_ =	shalt  }
0x83: {  	_ =	shalt  }
0x84: {  	_ =	shalt  }
0x85: {  	_ =	shalt  }
0x86: {  	_ =	shalt  }
0x87: {  	_ =	shalt  }
.Lfunc_end0:
.L_simem_size_0:
called_computation_lowered:
.L_overlay_start_0:
0x88: {  	s2 =	sld [smem:$0x3FD9]  }
0x89: {  	s3 =	sld [smem:$0x3FFE];
	_ =	sdelay $0x1  }
0x8a: {  	s1 =	srdreg.scid  }
0x8b: {  	s0 =	sand.u32 $0x1, s1  }
0x8c: {  	s16 =	sshll.u32 s0, $0xA;
	s2 =	sadd.s32 s3, s2  }
0x8d: {  	s2 =	sadd.s32 s2, s16  }
0x8e: {  	[smem:$0x3FAB] =	sst s2  }
0x8f: {  	_ = 	snop  }
0x90: {  	(tm) =	ssettm $0x1  }
0x91: {  	s17 =	sld [smem:$0x3FFB];
	_ =	sdelay $0x3  }
0x92: {  	_ =	strace s17  }
0x93: {  	s2 =	sld [smem:$0x3FFC];
	_ =	sdelay $0x3  }
0x94: {  	_ =	strace s2  }
0x95: {  	s2 =	sld [smem:$0x3FFD];
	_ =	sdelay $0x3  }
0x96: {  	_ =	strace s2  }
0x97: {  	_ =	strace $0x8FFFFFFF  }
0x98: {  	s18 =	sld [smem:$0x3FDB];
	_ =	sdelay $0x1  }
0x99: {  	s19 =	simm.s32 $_scs_section_size  }
0x9a: {  	s4 =	simm.s32 $_size__tile_overlayer_lowered;
	s5 =	simm.s32 $_tile_overlayer_lowered  }
0x9b: {  	s22 =	simm.s32 $0x1BFF;
	s21 =	sshll.u32 s5, $0x1;
	s2 =	sadd.s32 s19, s18  }
0x9c: {  	s6 =	simm.s32 $0x0;
	s20 =	sshll.u32 s4, $0x1;
	s4 =	sadd.s32 s21, s2  }
0x9d: {  	[timem:s6], [sflag:s22] =	dma.local [hbm:s4], s20  }
0x9e: {  	_ =	swait.ge [sflag:s22], s20  }
0x9f: {  	s3 =	ssub.s32 $0x0, s20;
	[sflag:s22] =	ssyncset.done $0x0  }
0xa0: {  	[sflag:s22] =	ssyncadd.s32 s3;
	_ =	sdelay $0x1  }
0xa1: {  	s23 =	simm.s32 $0x1B8B  }
0xa2: {  	_ =	swait.ge [sflag:s23], $0x1  }
0xa3: {  	[sflag:s23] =	ssyncset.done $0x0  }
0xa4: {  	s25 =	simm.s32 $0x1B8E;
	s24 =	sld [smem:$0x3FFE];
	[sflag:s23] =	ssyncadd.s32 $0xFFFFFFFF  }
0xa5: {  	s26 =	simm.s32 $execute0_lowered;
	[smem:$0x3FD2] =	sst s25  }
0xa6: {  	s4 =	sshll.u32 s26, $0x1;
	_ =	strace $0x80000046;
	[dreg:$0x1] =	wrdreg $0xFFFFFFFF  }
0xa7: {  	s28 =	simm.s32 $_size_execute0_lowered;
	s2 =	sadd.s32 s2, s4;
	[dreg:$0x0] =	wrdreg $0x0  }
0xa8: {  	s4 =	sshll.u32 s28, $0x1;
	[dreg:$0x2] =	wrdreg s2  }
0xa9: {  	[dreg:$0x3] =	wrdreg s4  }
0xaa: {  	[dreg:$0x4] =	wrdreg $0xC0  }
0xab: {  	_ =	task [dreg:s6], $0x5FFFF  }
0xac: {  	[dreg:$0x1] =	wrdreg $0xFFFFFFFF  }
0xad: {  	[dreg:$0x0] =	wrdreg $0x60  }
0xae: {  	[dreg:$0x2] =	wrdreg s24  }
0xaf: {  	[dreg:$0x3] =	wrdreg $0x41000  }
0xb0: {  	[dreg:$0x4] =	wrdreg $0x9  }
0xb1: {  	_ =	task.clear_ibuf [dreg:s6], $0x5FFFF;
	_ =	strace $0x90000046  }
0xb2: {  	s29 =	simm.s32 $0x9;
	_ =	strace $0x80000048  }
0xb3: {  	_ =	swait.ge [sflag:s29], $0x1  }
0xb4: {  	[sflag:s29] =	ssyncadd.s32 $0xFFFFFFFF  }
0xb5: {  	_ =	strace $0x90000048  }
0xb6: {  	_ =	sfence  }
0xb7: {  	s30 =	sld [smem:$0x0];
	_ =	sdelay $0x2  }
0xb8: {  	s31 =	sshll.u32 s1, $0xD;
	s1 =	sshrl.u32 s1, $0x2  }
0xb9: {  	s3 =	sand.u32 $0x4000, s31;
	s1 =	sadd.s32 s1, s30  }
0xba: {  	s0 =	sor.u32 s3, s0;
	s1 =	sshll.u32 s1, $0x11  }
0xbb: {  	s0 =	sor.u32 s1, s0  }
0xbc: {  	s0 =	sadd.s32 $0x8F2B, s0  }
0xbd: {  	[sflag:s0] =	ssyncadd.remote.s32 $0x1  }
0xbe: {  	_ =	sfence.sel $0xFFFF  }
0xbf: {  	[dreg:$0x0] =	wrdreg $0xFFFFFFFF;
	(pc) =	sbr.abs _section_cstart, $3  }
0xc0: {  	[dreg:$0x1] =	wrdreg $0xFFFFFFFF  }
0xc1: {  	_ =	task.clear_ibuf [dreg:s6], $0x2FFFF;
	_ =	strace $0x9FFFFFFF  }
0xc2: {  	(tm) =	ssettm $0x7FFFFFFF  }
0xc3: {  	_ =	shalt  }
tec
execute0_lowered:
.L_overlay_start_1:
0x0: {  	(tag) =	ssettag $0x1  }
0x1: {  	s6 =	rddreg [dreg:$0x0]  }
0x2: {  	s2 =	rddreg [dreg:$0x1]  }
0x3: {  	s0 =	srdreg.scid;
	s1 =	rddreg [dreg:$0x2]  }
0x4: {  	s3 =	simm.s32 $0x0;
	s13 =	simm.s32 $0x80;
	s5 =	sand.u32 $0x1, s0  }
0x5: {  	s14 =	simm.s32 $0x100;
	s0 =	stileid.u32;
	s4 =	smul.u32 $0x9C400, s5  }
0x6: {  	s15 =	simm.s32 $0x1;
	s16 =	simm.s32 $0x0;
	s8 =	smul.u32 $0x2800, s0  }
0x7: {  	[smem:$0x7FF] =	sst s3;
	s7 =	sshll.u32 s0, $0x8;
	s9 =	smul.u32 $0x28000, s5  }
0x8: {  	_ =	strace $0x80000047;
	s28 =	ssub.s32 $0x2, s5;
	s11 =	smul.u32 $0x50000, s0  }
0x9: {  	s5 =	sadd.s32 $0x7CC00, s6;
	s31 =	sshll.u32 s0, $0x6;
	p0 =	slt.u32 s0, $0x4  }
0xa: {  	s29 =	sshrl.u32 s28, $0x1;
	s4 =	sadd.s32 s4, s7;
	s7 =	sand.u32 $0x300, s7  }
0xb: {  	s8 =	sadd.s32 s8, s9;
	s9 =	ssub.s32 s28, s29;
	s30 =	sshrl.u32 s11, $0x2  }
0xc: {  	s4 =	sand.u32 $0x1FFC00, s4;
	s8 =	sadd.s32 s8, s6;
	s12 =	sadd.s32 s30, s2  }
0xd: {  	s9 =	smax.u32 s9, $0x1;
	s7 =	sor.u32 s7, s4;
	s4 =	sadd.s32 $0x2CC00, s6  }
0xe: {  	s8 =	sadd.s32 $0x7F400, s8;
	s11 =	sshrl.u32 s12, $0x3;
	s7 =	sshrl.u32 s7, $0x3  }
0xf: {  	s12 =	simm.s32 $0x2;
	s10 =	sadd.s32 s7, s6;
	s6 =	simm.s32 $0x9D  }
0x10: {  	s7 =	sor.u32 $0x1C02, s31;
	s6 =	simm.s32 @!p0 $0x9C;
	s10 =	sadd.s32 $0x5A00, s10  }
.LBB2_1:
0x11: {  	[spmem:s11], [sflag:s7] =	dma.local [hbm:s5], $0x2800  }
0x12: {  	_ =	swait.ge [sflag:s12], $0x2800  }
0x13: {  	[sflag:s12] =	ssyncset.done $0x0  }
0x14: {  	[sflag:s12] =	ssyncadd.s32 $0xFFFFD800  }
0x15: {  	[bflag:$0x0] =	sbarrier.arrive $0xFFFF  }
0x16: {  	[tilespmem:s3], [sflag:$0x2] =	stream.linear.gather [hbm4b:s10+s3], $0x100, $0x38;
	[tilespmem:$0x18100] =	vst v63  }
0x17: {  	_ =	swait.ge [sflag:s12], $0x100  }
0x18: {  	[sflag:s12] =	ssyncset.done $0x0  }
0x19: {  	[sflag:s12] =	ssyncadd.s32 $0xFFFFFF00  }
0x1a: {  	[tilespmem:s14], [sflag:$0x1] =	stream.indirect.gather [hbm4b:s4+s13], $0x80, s3, s13, $0xb8;
	[tilespmem:$0x18100] =	vst v63  }
0x1b: {  	p0 =	sne.s32 s6, $0x1;
	_ =	swait.ge [sflag:s15], $0x4000  }
.Ltmp0:
0x1c: {  	[sflag:s15] =	ssyncset.done $0x0;
	(pc) =	sbr.rel @!p0 .LBB2_3-.Ltmp0, $4  }
0x1d: {  	[sflag:s15] =	ssyncadd.s32 $0xFFFFC000  }
0x1e: {  	[spmem:s2] =	stream.indirect.scatter.add.f32 [tilespmem:s14], [sflag:$0x2], $0x80, s13, s13, $0xb8;
	[tilespmem:$0x18100] =	vst v63  }
0x1f: {  	_ =	swait.ge [sflag:s12], $0x4000  }
0x20: {  	s17 =	sadd.s32 $0xFFFFFFFF, s6;
	s18 =	smov.u32 s10;
	[sflag:s12] =	ssyncset.done $0x0  }
.LBB2_2:
0x21: {  	p0 =	sne.s32 s17, $0x1;
	[sflag:s12] =	ssyncadd.s32 $0xFFFFC000;
	s18 =	sadd.s32 $0x200, s18  }
0x22: {  	[tilespmem:s3], [sflag:$0x2] =	stream.linear.gather [hbm4b:s18+s3], $0x100, $0x38;
	[tilespmem:$0x18100] =	vst v63  }
0x23: {  	s17 =	sadd.s32 $0xFFFFFFFF, s17;
	_ =	swait.ge [sflag:s12], $0x100  }
0x24: {  	[sflag:s12] =	ssyncset.done $0x0  }
0x25: {  	[sflag:s12] =	ssyncadd.s32 $0xFFFFFF00  }
0x26: {  	[tilespmem:s14], [sflag:$0x1] =	stream.indirect.gather [hbm4b:s4+s13], $0x80, s3, s13, $0xb8;
	[tilespmem:$0x18100] =	vst v63  }
0x27: {  	_ =	swait.ge [sflag:s15], $0x4000  }
.Ltmp1:
0x28: {  	[sflag:s15] =	ssyncset.done $0x0;
	(pc) =	sbr.rel @p0 .LBB2_2-.Ltmp1, $4  }
0x29: {  	[sflag:s15] =	ssyncadd.s32 $0xFFFFC000  }
0x2a: {  	[spmem:s2] =	stream.indirect.scatter.add.f32 [tilespmem:s14], [sflag:$0x2], $0x80, s13, s13, $0xb8;
	[tilespmem:$0x18100] =	vst v63  }
0x2b: {  	_ =	swait.ge [sflag:s12], $0x4000  }
0x2c: {  	[sflag:s12] =	ssyncset.done $0x0  }
.LBB2_3:
0x2d: {  	s16 =	sadd.s32 $0x1, s16  }
0x2e: {  	[sflag:s12] =	ssyncadd.s32 $0xFFFFC000;
	p0 =	sne.s32 s16, s9  }
.Ltmp2:
0x2f: {  	[bflag:$0x0] =	sbarrier.arrive $0xFFFF;
	(pc) =	sbr.rel @p0 .LBB2_1-.Ltmp2, $4  }
0x30: {  	[hbm:s8], [sflag:s7] =	dma.local [spmem:s11], $0x2800  }
0x31: {  	_ =	swait.ge [sflag:s12], $0x2800  }
0x32: {  	[sflag:s12] =	ssyncset.done $0x0  }
0x33: {  	[sflag:s12] =	ssyncadd.s32 $0xFFFFD800  }
0x34: {  	_ =	sfence.sel $0x180000  }
0x35: {  	[bflag:$0x0] =	sbarrier.arrive $0xFFFF  }
0x36: {  	p0 =	sne.s32 s0, $0x0;
	_ =	strace $0x90000047  }
0x37: {  	s0 =	sadd.s32 @!p0 $0x100000, s1;
	[bflag:$0x2] =	sbarrier.arrive $0xFFFF  }
0x38: {  	[sflag:s0] =	ssyncadd.tile.s32 @!p0 $0x1;
	_ =	shalt  }
.Lfunc_end2:
_tile_overlayer_lowered:
.L_overlay_start_2:
0x39: {  	(tag) =	ssettag $0x2  }
0x3a: {  	s0 =	rddreg [dreg:$0x0];
	s2 =	stileid.u32  }
0x3b: {  	s1 =	rddreg [dreg:$0x1];
	p0 =	sne.s32 s2, $0x0  }
0x3c: {  	s3 =	rddreg [dreg:$0x2];
	[bflag:$0x3] =	sbarrier.arrive $0xFFFF;
	s2 =	simm.s32 @!p0 $0x1C02  }
0x3d: {  	[timem:s3], [sflag:s2] =	dma.local @!p0 [hbm:s0], s1  }
0x3e: {  	s0 =	simm.s32 @!p0 $0x2  }
0x3f: {  	_ =	swait.ge @!p0 [sflag:s0], s1  }
0x40: {  	s1 =	ssub.s32 @!p0 $0x0, s1;
	[sflag:s0] =	ssyncset.done @!p0 $0x0  }
0x41: {  	[sflag:s0] =	ssyncadd.s32 @!p0 s1  }
0x42: {  	[bflag:$0x3] =	sbarrier.arrive $0xFFFF  }
0x43: {  	_ =	shalt  }

</sc_bundles>
